<compile_context>
chip_gen: v7x
topology: tpu7x:2x2x1
jax: 0.10.2.dev20260603
libtpu: 0.0.44.dev20260713+nightly
codegen_flags: <defaults>
</compile_context>

<pallas_src>
import dataclasses
import functools

import jax
import jax.numpy as jnp
from jax import lax
from jax.experimental import pallas as pl
from jax.experimental.pallas import tpu as pltpu
from jax.experimental.pallas import tpu_sc as plsc

N = 10000
E = 320000
D = 128

NC = 2
NS = 16
NW = NC * NS

CHUNK = 80
EPW = E // NW
STEPS = EPW // CHUNK
RPS = 624
TAIL0 = NS * RPS
TAILN = N - TAIL0

NPAD = 10240
VEC = 16


def _vector_mesh():
    return plsc.VectorSubcoreMesh(core_axis_name="c", subcore_axis_name="s")


def _sc_compiler_params():
    cp = pltpu.CompilerParams()
    if "needs_layout_passes" in pltpu.CompilerParams.__dataclass_fields__:
        cp = dataclasses.replace(cp, needs_layout_passes=False)
    return cp


def _sc_degree(ei2):

    @functools.partial(
        pl.kernel,
        mesh=_vector_mesh(),
        compiler_params=_sc_compiler_params(),
        out_type=jax.ShapeDtypeStruct((NC, NS, NPAD), jnp.float32),
        scratch_types=[
            pltpu.VMEM((EPW,), jnp.int32),
            pltpu.VMEM((NPAD,), jnp.float32),
        ],
    )
    def k(ei_hbm, out_hbm, didx_a, hist_v):
        c = lax.axis_index("c")
        s = lax.axis_index("s")
        w = c * jnp.int32(NS) + s
        pltpu.sync_copy(ei_hbm.at[jnp.int32(1), w, :], didx_a)

        zeros16 = jnp.zeros((VEC,), jnp.float32)
        ones16 = jnp.ones((VEC,), jnp.float32)

        @pl.loop(jnp.int32(0), jnp.int32(NPAD), step=jnp.int32(VEC))
        def _(i):
            hist_v[pl.ds(i, VEC)] = zeros16

        @pl.loop(jnp.int32(0), jnp.int32(EPW), step=jnp.int32(VEC))
        def _(i):
            idx = didx_a[pl.ds(i, VEC)]
            plsc.addupdate_scatter(hist_v, [idx], ones16)

        pltpu.sync_copy(hist_v, out_hbm.at[c, s, :])

    return k(ei2)


def _sc_aggregate(h2, ei2, ei3):

    @functools.partial(
        pl.kernel,
        mesh=_vector_mesh(),
        out_type=jax.ShapeDtypeStruct((NC, N, D), jnp.float32),
        scratch_types=[
            pltpu.VMEM((EPW,), jnp.int32),
            pltpu.VMEM((STEPS, CHUNK), jnp.int32),
            pltpu.VMEM((CHUNK, D), jnp.float32),
            pltpu.VMEM((CHUNK, D), jnp.float32),
            pltpu.VMEM_SHARED((N, D), jnp.float32),
            pltpu.SemaphoreType.DMA,
            pltpu.SemaphoreType.DMA,
        ],
    )
    def k(h2_hbm, ei2_hbm, ei3_hbm, out_hbm, sidx_a, didx_a, rows0, rows1,
          agg_sp, semg0, semg1):
        c = lax.axis_index("c")
        s = lax.axis_index("s")
        w = c * jnp.int32(NS) + s
        stripe = pl.ds(s * jnp.int32(RPS), RPS)
        tail = pl.ds(TAIL0, TAILN)

        pltpu.sync_copy(ei2_hbm.at[jnp.int32(0), w, :], sidx_a)
        pltpu.sync_copy(ei3_hbm.at[jnp.int32(1), w, :, :], didx_a)
        pltpu.sync_copy(h2_hbm.at[stripe], agg_sp.at[stripe])

        @pl.when(s == NS - 1)
        def _():
            pltpu.sync_copy(h2_hbm.at[tail], agg_sp.at[tail])

        plsc.subcore_barrier()

        def start_gather(j, rows, sem):
            pltpu.async_copy(
                h2_hbm.at[sidx_a.at[pl.ds(j * jnp.int32(CHUNK), CHUNK)]],
                rows, sem)

        def wait_gather(j, rows, sem):
            pltpu.make_async_copy(
                h2_hbm.at[sidx_a.at[pl.ds(j * jnp.int32(CHUNK), CHUNK)]],
                rows, sem).wait()

        def scatter(j, rows):
            pltpu.sync_copy(rows, agg_sp.at[didx_a.at[j]], add=True)

        start_gather(jnp.int32(0), rows0, semg0)

        @pl.loop(jnp.int32(0), jnp.int32((STEPS - 1) // 2))
        def _(k2):
            j = jnp.int32(2) * jnp.int32(k2)
            wait_gather(j, rows0, semg0)
            start_gather(j + 1, rows1, semg1)
            scatter(j, rows0)
            wait_gather(j + 1, rows1, semg1)
            start_gather(j + 2, rows0, semg0)
            scatter(j + 1, rows1)

        last = jnp.int32(STEPS - 1)
        wait_gather(last, rows0, semg0)
        scatter(last, rows0)

        plsc.subcore_barrier()
        pltpu.sync_copy(agg_sp.at[stripe], out_hbm.at[c].at[stripe])

        @pl.when(s == NS - 1)
        def _():
            pltpu.sync_copy(agg_sp.at[tail], out_hbm.at[c].at[tail])

    return k(h2, ei2, ei3)


_BLK = 1024
_GRID = NPAD // _BLK


def _tc_h2(x, W, degp):
    def body(x_ref, w_ref, d_ref, o_ref):
        deg = jnp.sum(d_ref[...], axis=0) + 1.0
        dinv = lax.rsqrt(deg)
        h = jnp.dot(x_ref[...], w_ref[...], preferred_element_type=jnp.float32)
        o_ref[...] = h * dinv[None, :].reshape(_BLK, 1)

    return pl.pallas_call(
        body,
        grid=(_GRID,),
        in_specs=[
            pl.BlockSpec((_BLK, D), lambda i: (i, jnp.int32(0))),
            pl.BlockSpec((D, D), lambda i: (jnp.int32(0), jnp.int32(0))),
            pl.BlockSpec((NW, _BLK), lambda i: (jnp.int32(0), i)),
        ],
        out_specs=pl.BlockSpec((_BLK, D), lambda i: (i, jnp.int32(0))),
        out_shape=jax.ShapeDtypeStruct((N, D), jnp.float32),
    )(x, W, degp)


def _tc_finish(aggp, h2, degp, b2, pw2):
    def body(a_ref, h2_ref, d_ref, b_ref, p_ref, o_ref):
        deg = jnp.sum(d_ref[...], axis=0) + 1.0
        dinv = lax.rsqrt(deg)
        ssum = a_ref[0] + a_ref[1] - h2_ref[...]
        pre = ssum * dinv[None, :].reshape(_BLK, 1) + b_ref[...]
        o_ref[...] = jnp.where(pre > 0, pre, pre * p_ref[...])

    return pl.pallas_call(
        body,
        grid=(_GRID,),
        in_specs=[
            pl.BlockSpec((NC, _BLK, D), lambda i: (jnp.int32(0), i, jnp.int32(0))),
            pl.BlockSpec((_BLK, D), lambda i: (i, jnp.int32(0))),
            pl.BlockSpec((NW, _BLK), lambda i: (jnp.int32(0), i)),
            pl.BlockSpec((1, D), lambda i: (jnp.int32(0), jnp.int32(0))),
            pl.BlockSpec((1, D), lambda i: (jnp.int32(0), jnp.int32(0))),
        ],
        out_specs=pl.BlockSpec((_BLK, D), lambda i: (i, jnp.int32(0))),
        out_shape=jax.ShapeDtypeStruct((N, D), jnp.float32),
    )(aggp, h2, degp, b2, pw2)


def kernel(x, edge_index, W, b, prelu_w):
    ei = edge_index.astype(jnp.int32)
    ei2 = ei.reshape(2, NW, EPW)
    ei3 = ei.reshape(2, NW, STEPS, CHUNK)
    x = x.astype(jnp.float32)
    W = W.astype(jnp.float32)

    degp = _sc_degree(ei2).reshape(NW, NPAD)
    h2 = _tc_h2(x, W, degp)
    aggp = _sc_aggregate(h2, ei2, ei3)
    out = _tc_finish(aggp, h2, degp,
                     b.reshape(1, D).astype(jnp.float32),
                     prelu_w.reshape(1, D).astype(jnp.float32))
    return out

# --- scband reference (transcript-rebuilt; emitter-appended) ---
"""Pipeline reference for scband-encoder2-46763603919351 (READ-ONLY COPY).

The authoritative reference and input builder live on the scoring server;
editing this copy changes nothing except your own understanding.
"""

import jax
jax.config.update('jax_enable_x64', True)
import jax.numpy as jnp
import numpy as np

N = 10000
E = 320000
D_IN = 128
D_H = 128


def setup_inputs(seed: int = 0) -> dict:
    key = jax.random.key(seed)
    k1, k2, k3, k4, k5 = jax.random.split(key, 5)
    x = jax.random.normal(k1, (N, D_IN), dtype=jnp.float32)
    edge_index = jax.random.randint(k2, (2, E), 0, N, dtype=jnp.int64)
    # GCNConv linear weight (glorot) and bias
    limit = float(np.sqrt(6.0 / (D_IN + D_H)))
    W = jax.random.uniform(k3, (D_IN, D_H), dtype=jnp.float32, minval=-limit, maxval=limit)
    b = jnp.zeros((D_H,), dtype=jnp.float32)
    # PReLU per-channel weight, torch default init 0.25
    prelu_w = jnp.full((D_H,), 0.25, dtype=jnp.float32)
    return {"x": x, "edge_index": edge_index, "W": W, "b": b, "prelu_w": prelu_w}


def reference(x, edge_index, W, b, prelu_w):
    # GCNConv: out = D^{-1/2} (A + I) D^{-1/2} (X W) + b ; then PReLU
    src = edge_index[0]
    dst = edge_index[1]
    loop = jnp.arange(N, dtype=edge_index.dtype)
    src_full = jnp.concatenate([src, loop])
    dst_full = jnp.concatenate([dst, loop])
    # symmetric normalization with self-loops (in-degree of dst)
    deg = jnp.zeros((N,), dtype=x.dtype).at[dst_full].add(1.0)
    dinv = jnp.where(deg > 0, jax.lax.rsqrt(deg), 0.0)
    norm = dinv[src_full] * dinv[dst_full]
    h = x @ W
    msg = h[src_full] * norm[:, None]
    agg = jax.ops.segment_sum(msg, dst_full, num_segments=N)
    out = agg + b
    # PReLU with per-channel weight
    return jnp.where(out > 0, out, prelu_w * out)

if __name__ == "__main__":
    import jax
    _d = setup_inputs()
    print(jax.jit(kernel)(*tuple(_d.values())))

</pallas_src>

<mosaic_0001>
#map = affine_map<(d0, d1) -> (0, 0, 0)>
module attributes {stable_mosaic.version = 14 : i64} {
  func.func @k(%arg0: i32, %arg1: i32, %arg2: memref<2x32x10000xi32, #tpu.memory_space<hbm>>, %arg3: memref<2x16x10240xf32, #tpu.memory_space<hbm>>, %arg4: memref<10000xi32, #tpu.memory_space<vmem>>, %arg5: memref<10240xf32, #tpu.memory_space<vmem>>) attributes {dimension_semantics = [#tpu.dimension_semantics<core_parallel>, #tpu.dimension_semantics<subcore_parallel>], iteration_bounds = array<i64: 2, 16>, scalar_prefetch = 0 : i64, scratch_operands = 2 : i64, tpu.core_type = #tpu.core_type<sc_vector_subcore>, window_params = [{transform_indices = #map}, {transform_indices = #map}]} {
    %mul3A = arith.constant 16 : i32
    %mul3A_0 = arith.muli %arg0, %mul3A : i32
    %add3A = arith.addi %mul3A_0, %arg1 : i32
    %run_scoped3A = arith.constant 1 : i32
    "tpu.region"() ({
      %run_scoped3A_41 = tpu.sem_alloc : memref<!tpu.dma_semaphore, #tpu.memory_space<semaphore_mem>>
      %dma_start3A = arith.constant 0 : i32
      %dma_start3A_42 = tpu.memref_slice %arg2[%run_scoped3A, %add3A, %dma_start3A] : memref<2x32x10000xi32, #tpu.memory_space<hbm>> -> memref<1x1x10000xi32, #tpu.memory_space<hbm>>
      %dma_start3A_43 = tpu.memref_squeeze %dma_start3A_42 : memref<1x1x10000xi32, #tpu.memory_space<hbm>> -> memref<10000xi32, #tpu.memory_space<hbm>>
      %dma_start3A_44 = arith.constant 0 : i32
      %dma_start3A_45 = tpu.memref_slice %arg2[%run_scoped3A, %add3A, %dma_start3A_44] : memref<2x32x10000xi32, #tpu.memory_space<hbm>> -> memref<1x1x10000xi32, #tpu.memory_space<hbm>>
      %dma_start3A_46 = tpu.memref_squeeze %dma_start3A_45 : memref<1x1x10000xi32, #tpu.memory_space<hbm>> -> memref<10000xi32, #tpu.memory_space<hbm>>
      tpu.enqueue_dma source(%dma_start3A_46 : memref<10000xi32, #tpu.memory_space<hbm>>) target(%arg4 : memref<10000xi32, #tpu.memory_space<vmem>>) target_semaphore(%run_scoped3A_41 : memref<!tpu.dma_semaphore, #tpu.memory_space<semaphore_mem>>)
      %dma_wait3A = arith.constant 0 : i32
      %dma_wait3A_47 = tpu.memref_slice %arg2[%run_scoped3A, %add3A, %dma_wait3A] : memref<2x32x10000xi32, #tpu.memory_space<hbm>> -> memref<1x1x10000xi32, #tpu.memory_space<hbm>>
      %dma_wait3A_48 = tpu.memref_squeeze %dma_wait3A_47 : memref<1x1x10000xi32, #tpu.memory_space<hbm>> -> memref<10000xi32, #tpu.memory_space<hbm>>
      %dma_wait3A_49 = arith.constant 0 : i32
      %dma_wait3A_50 = tpu.memref_slice %arg2[%run_scoped3A, %add3A, %dma_wait3A_49] : memref<2x32x10000xi32, #tpu.memory_space<hbm>> -> memref<1x1x10000xi32, #tpu.memory_space<hbm>>
      %dma_wait3A_51 = tpu.memref_squeeze %dma_wait3A_50 : memref<1x1x10000xi32, #tpu.memory_space<hbm>> -> memref<10000xi32, #tpu.memory_space<hbm>>
      tpu.wait_dma2 semaphore(%run_scoped3A_41 : memref<!tpu.dma_semaphore, #tpu.memory_space<semaphore_mem>>) src(%dma_wait3A_51 : memref<10000xi32, #tpu.memory_space<hbm>>) dst(%arg4 : memref<10000xi32, #tpu.memory_space<vmem>>)
      tpu.yield
    }) : () -> ()
    %broadcast_in_dim3A = arith.constant 0.000000e+00 : f32
    %broadcast_in_dim3A_1 = vector.broadcast %broadcast_in_dim3A : f32 to vector<16xf32>
    %broadcast_in_dim3A_2 = arith.constant 1.000000e+00 : f32
    %broadcast_in_dim3A_3 = vector.broadcast %broadcast_in_dim3A_2 : f32 to vector<16xf32>
    %sub3A = arith.constant 10240 : i32
    %sub3A_4 = arith.constant 0 : i32
    %sub3A_5 = arith.subi %sub3A, %sub3A_4 : i32
    %sub3A_6 = arith.constant 16 : i32
    %sub3A_7 = arith.constant 1 : i32
    %sub3A_8 = arith.subi %sub3A_6, %sub3A_7 : i32
    %add3A_9 = arith.addi %sub3A_5, %sub3A_8 : i32
    %div3A = arith.constant 16 : i32
    %div3A_10 = arith.divsi %add3A_9, %div3A : i32
    %while3A = arith.constant 16 : i32
    %while3A_11 = arith.constant 0 : i32
    %while3A_12 = arith.constant 0 : i32
    %while3A_13 = arith.subi %div3A_10, %while3A_12 : i32
    %while3A_14 = arith.addi %while3A_12, %while3A_13 : i32
    %while3A_15 = arith.constant 1 : i32
    %while3A_16 = arith.divsi %while3A_13, %while3A_15 : i32
    %while3A_17 = arith.muli %while3A_16, %while3A_15 : i32
    %while3A_18 = arith.addi %while3A_12, %while3A_17 : i32
    %while3A_19 = arith.constant 1 : i32
    scf.for %while3A_41 = %while3A_12 to %while3A_18 step %while3A_19  : i32 {
      %mul3A_42 = arith.muli %while3A_41, %while3A : i32
      %add3A_43 = arith.addi %while3A_11, %mul3A_42 : i32
      %swap3A = arith.index_cast %add3A_43 : i32 to index
      %swap3A_44 = tpu.vector_load %arg5[%swap3A] {strides = array<i32>} : memref<10240xf32, #tpu.memory_space<vmem>>, vector<16xf32>,
      tpu.vector_store %arg5[%swap3A], %broadcast_in_dim3A_1 {strides = array<i32>} : memref<10240xf32, #tpu.memory_space<vmem>>, vector<16xf32>,
    }
    %while3A_20 = arith.constant 1 : i32
    scf.for %while3A_41 = %while3A_18 to %while3A_14 step %while3A_20  : i32 {
      %mul3A_42 = arith.muli %while3A_41, %while3A : i32
      %add3A_43 = arith.addi %while3A_11, %mul3A_42 : i32
      %swap3A = arith.index_cast %add3A_43 : i32 to index
      %swap3A_44 = tpu.vector_load %arg5[%swap3A] {strides = array<i32>} : memref<10240xf32, #tpu.memory_space<vmem>>, vector<16xf32>,
      tpu.vector_store %arg5[%swap3A], %broadcast_in_dim3A_1 {strides = array<i32>} : memref<10240xf32, #tpu.memory_space<vmem>>, vector<16xf32>,
    }
    %sub3A_21 = arith.constant 10000 : i32
    %sub3A_22 = arith.constant 0 : i32
    %sub3A_23 = arith.subi %sub3A_21, %sub3A_22 : i32
    %sub3A_24 = arith.constant 16 : i32
    %sub3A_25 = arith.constant 1 : i32
    %sub3A_26 = arith.subi %sub3A_24, %sub3A_25 : i32
    %add3A_27 = arith.addi %sub3A_23, %sub3A_26 : i32
    %div3A_28 = arith.constant 16 : i32
    %div3A_29 = arith.divsi %add3A_27, %div3A_28 : i32
    %while3A_30 = arith.constant 16 : i32
    %while3A_31 = arith.constant 0 : i32
    %while3A_32 = arith.constant 0 : i32
    %while3A_33 = arith.subi %div3A_29, %while3A_32 : i32
    %while3A_34 = arith.addi %while3A_32, %while3A_33 : i32
    %while3A_35 = arith.constant 1 : i32
    %while3A_36 = arith.divsi %while3A_33, %while3A_35 : i32
    %while3A_37 = arith.muli %while3A_36, %while3A_35 : i32
    %while3A_38 = arith.addi %while3A_32, %while3A_37 : i32
    %while3A_39 = arith.constant 1 : i32
    scf.for %while3A_41 = %while3A_32 to %while3A_38 step %while3A_39  : i32 {
      %mul3A_42 = arith.muli %while3A_41, %while3A_30 : i32
      %add3A_43 = arith.addi %while3A_31, %mul3A_42 : i32
      %get3A = arith.index_cast %add3A_43 : i32 to index
      %get3A_44 = tpu.vector_load %arg4[%get3A] {strides = array<i32>} : memref<10000xi32, #tpu.memory_space<vmem>>, vector<16xi32>,
      tpu.vector_store_idx %arg5[%get3A_44], %broadcast_in_dim3A_3 {add = true} : memref<10240xf32, #tpu.memory_space<vmem>>[vector<16xi32>], vector<16xf32>,
    }
    %while3A_40 = arith.constant 1 : i32
    scf.for %while3A_41 = %while3A_38 to %while3A_34 step %while3A_40  : i32 {
      %mul3A_42 = arith.muli %while3A_41, %while3A_30 : i32
      %add3A_43 = arith.addi %while3A_31, %mul3A_42 : i32
      %get3A = arith.index_cast %add3A_43 : i32 to index
      %get3A_44 = tpu.vector_load %arg4[%get3A] {strides = array<i32>} : memref<10000xi32, #tpu.memory_space<vmem>>, vector<16xi32>,
      tpu.vector_store_idx %arg5[%get3A_44], %broadcast_in_dim3A_3 {add = true} : memref<10240xf32, #tpu.memory_space<vmem>>[vector<16xi32>], vector<16xf32>,
    }
    "tpu.region"() ({
      %run_scoped3A_41 = tpu.sem_alloc : memref<!tpu.dma_semaphore, #tpu.memory_space<semaphore_mem>>
      %dma_start3A = arith.constant 0 : i32
      %dma_start3A_42 = tpu.memref_slice %arg3[%arg0, %arg1, %dma_start3A] : memref<2x16x10240xf32, #tpu.memory_space<hbm>> -> memref<1x1x10240xf32, #tpu.memory_space<hbm>>
      %dma_start3A_43 = tpu.memref_squeeze %dma_start3A_42 : memref<1x1x10240xf32, #tpu.memory_space<hbm>> -> memref<10240xf32, #tpu.memory_space<hbm>>
      %dma_start3A_44 = arith.constant 0 : i32
      %dma_start3A_45 = tpu.memref_slice %arg3[%arg0, %arg1, %dma_start3A_44] : memref<2x16x10240xf32, #tpu.memory_space<hbm>> -> memref<1x1x10240xf32, #tpu.memory_space<hbm>>
      %dma_start3A_46 = tpu.memref_squeeze %dma_start3A_45 : memref<1x1x10240xf32, #tpu.memory_space<hbm>> -> memref<10240xf32, #tpu.memory_space<hbm>>
      tpu.enqueue_dma source(%arg5 : memref<10240xf32, #tpu.memory_space<vmem>>) target(%dma_start3A_46 : memref<10240xf32, #tpu.memory_space<hbm>>) target_semaphore(%run_scoped3A_41 : memref<!tpu.dma_semaphore, #tpu.memory_space<semaphore_mem>>)
      %dma_wait3A = arith.constant 0 : i32
      %dma_wait3A_47 = tpu.memref_slice %arg3[%arg0, %arg1, %dma_wait3A] : memref<2x16x10240xf32, #tpu.memory_space<hbm>> -> memref<1x1x10240xf32, #tpu.memory_space<hbm>>
      %dma_wait3A_48 = tpu.memref_squeeze %dma_wait3A_47 : memref<1x1x10240xf32, #tpu.memory_space<hbm>> -> memref<10240xf32, #tpu.memory_space<hbm>>
      %dma_wait3A_49 = arith.constant 0 : i32
      %dma_wait3A_50 = tpu.memref_slice %arg3[%arg0, %arg1, %dma_wait3A_49] : memref<2x16x10240xf32, #tpu.memory_space<hbm>> -> memref<1x1x10240xf32, #tpu.memory_space<hbm>>
      %dma_wait3A_51 = tpu.memref_squeeze %dma_wait3A_50 : memref<1x1x10240xf32, #tpu.memory_space<hbm>> -> memref<10240xf32, #tpu.memory_space<hbm>>
      tpu.wait_dma2 semaphore(%run_scoped3A_41 : memref<!tpu.dma_semaphore, #tpu.memory_space<semaphore_mem>>) src(%arg5 : memref<10240xf32, #tpu.memory_space<vmem>>) dst(%dma_wait3A_51 : memref<10240xf32, #tpu.memory_space<hbm>>)
      tpu.yield
    }) : () -> ()
    return
  }
}

#map = affine_map<(d0, d1) -> (0, 0)>
#map1 = affine_map<(d0, d1) -> (0, 0, 0)>
#map2 = affine_map<(d0, d1) -> (0, 0, 0, 0)>
module attributes {stable_mosaic.version = 14 : i64} {
  func.func @k(%arg0: i32, %arg1: i32, %arg2: memref<10000x128xf32, #tpu.memory_space<hbm>>, %arg3: memref<2x32x10000xi32, #tpu.memory_space<hbm>>, %arg4: memref<2x32x125x80xi32, #tpu.memory_space<hbm>>, %arg5: memref<2x10000x128xf32, #tpu.memory_space<hbm>>, %arg6: memref<10000xi32, #tpu.memory_space<vmem>>, %arg7: memref<125x80xi32, #tpu.memory_space<vmem>>, %arg8: memref<80x128xf32, #tpu.memory_space<vmem>>, %arg9: memref<80x128xf32, #tpu.memory_space<vmem>>, %arg10: memref<10000x128xf32, #tpu.memory_space<vmem_shared>>, %arg11: memref<!tpu.dma_semaphore, #tpu.memory_space<semaphore_mem>>, %arg12: memref<!tpu.dma_semaphore, #tpu.memory_space<semaphore_mem>>) attributes {dimension_semantics = [#tpu.dimension_semantics<core_parallel>, #tpu.dimension_semantics<subcore_parallel>], iteration_bounds = array<i64: 2, 16>, scalar_prefetch = 0 : i64, scratch_operands = 7 : i64, tpu.core_type = #tpu.core_type<sc_vector_subcore>, window_params = [{transform_indices = #map}, {transform_indices = #map1}, {transform_indices = #map2}, {transform_indices = #map1}]} {
    %mul3A = arith.constant 16 : i32
    %mul3A_0 = arith.muli %arg0, %mul3A : i32
    %add3A = arith.addi %mul3A_0, %arg1 : i32
    %mul3A_1 = arith.constant 624 : i32
    %mul3A_2 = arith.muli %arg1, %mul3A_1 : i32
    %run_scoped3A = arith.constant 0 : i32
    "tpu.region"() ({
      %run_scoped3A_42 = tpu.sem_alloc : memref<!tpu.dma_semaphore, #tpu.memory_space<semaphore_mem>>
      %dma_start3A_43 = arith.constant 0 : i32
      %dma_start3A_44 = tpu.memref_slice %arg3[%run_scoped3A, %add3A, %dma_start3A_43] : memref<2x32x10000xi32, #tpu.memory_space<hbm>> -> memref<1x1x10000xi32, #tpu.memory_space<hbm>>
      %dma_start3A_45 = tpu.memref_squeeze %dma_start3A_44 : memref<1x1x10000xi32, #tpu.memory_space<hbm>> -> memref<10000xi32, #tpu.memory_space<hbm>>
      %dma_start3A_46 = arith.constant 0 : i32
      %dma_start3A_47 = tpu.memref_slice %arg3[%run_scoped3A, %add3A, %dma_start3A_46] : memref<2x32x10000xi32, #tpu.memory_space<hbm>> -> memref<1x1x10000xi32, #tpu.memory_space<hbm>>
      %dma_start3A_48 = tpu.memref_squeeze %dma_start3A_47 : memref<1x1x10000xi32, #tpu.memory_space<hbm>> -> memref<10000xi32, #tpu.memory_space<hbm>>
      tpu.enqueue_dma source(%dma_start3A_48 : memref<10000xi32, #tpu.memory_space<hbm>>) target(%arg6 : memref<10000xi32, #tpu.memory_space<vmem>>) target_semaphore(%run_scoped3A_42 : memref<!tpu.dma_semaphore, #tpu.memory_space<semaphore_mem>>)
      %dma_wait3A_49 = arith.constant 0 : i32
      %dma_wait3A_50 = tpu.memref_slice %arg3[%run_scoped3A, %add3A, %dma_wait3A_49] : memref<2x32x10000xi32, #tpu.memory_space<hbm>> -> memref<1x1x10000xi32, #tpu.memory_space<hbm>>
      %dma_wait3A_51 = tpu.memref_squeeze %dma_wait3A_50 : memref<1x1x10000xi32, #tpu.memory_space<hbm>> -> memref<10000xi32, #tpu.memory_space<hbm>>
      %dma_wait3A_52 = arith.constant 0 : i32
      %dma_wait3A_53 = tpu.memref_slice %arg3[%run_scoped3A, %add3A, %dma_wait3A_52] : memref<2x32x10000xi32, #tpu.memory_space<hbm>> -> memref<1x1x10000xi32, #tpu.memory_space<hbm>>
      %dma_wait3A_54 = tpu.memref_squeeze %dma_wait3A_53 : memref<1x1x10000xi32, #tpu.memory_space<hbm>> -> memref<10000xi32, #tpu.memory_space<hbm>>
      tpu.wait_dma2 semaphore(%run_scoped3A_42 : memref<!tpu.dma_semaphore, #tpu.memory_space<semaphore_mem>>) src(%dma_wait3A_54 : memref<10000xi32, #tpu.memory_space<hbm>>) dst(%arg6 : memref<10000xi32, #tpu.memory_space<vmem>>)
      tpu.yield
    }) : () -> ()
    %run_scoped3A_3 = arith.constant 1 : i32
    "tpu.region"() ({
      %run_scoped3A_42 = tpu.sem_alloc : memref<!tpu.dma_semaphore, #tpu.memory_space<semaphore_mem>>
      %dma_start3A_43 = arith.constant 0 : i32
      %dma_start3A_44 = arith.constant 0 : i32
      %dma_start3A_45 = tpu.memref_slice %arg4[%run_scoped3A_3, %add3A, %dma_start3A_43, %dma_start3A_44] : memref<2x32x125x80xi32, #tpu.memory_space<hbm>> -> memref<1x1x125x80xi32, #tpu.memory_space<hbm>>
      %dma_start3A_46 = tpu.memref_squeeze %dma_start3A_45 : memref<1x1x125x80xi32, #tpu.memory_space<hbm>> -> memref<125x80xi32, #tpu.memory_space<hbm>>
      %dma_start3A_47 = arith.constant 0 : i32
      %dma_start3A_48 = arith.constant 0 : i32
      %dma_start3A_49 = tpu.memref_slice %arg4[%run_scoped3A_3, %add3A, %dma_start3A_47, %dma_start3A_48] : memref<2x32x125x80xi32, #tpu.memory_space<hbm>> -> memref<1x1x125x80xi32, #tpu.memory_space<hbm>>
      %dma_start3A_50 = tpu.memref_squeeze %dma_start3A_49 : memref<1x1x125x80xi32, #tpu.memory_space<hbm>> -> memref<125x80xi32, #tpu.memory_space<hbm>>
      tpu.enqueue_dma source(%dma_start3A_50 : memref<125x80xi32, #tpu.memory_space<hbm>>) target(%arg7 : memref<125x80xi32, #tpu.memory_space<vmem>>) target_semaphore(%run_scoped3A_42 : memref<!tpu.dma_semaphore, #tpu.memory_space<semaphore_mem>>)
      %dma_wait3A_51 = arith.constant 0 : i32
      %dma_wait3A_52 = arith.constant 0 : i32
      %dma_wait3A_53 = tpu.memref_slice %arg4[%run_scoped3A_3, %add3A, %dma_wait3A_51, %dma_wait3A_52] : memref<2x32x125x80xi32, #tpu.memory_space<hbm>> -> memref<1x1x125x80xi32, #tpu.memory_space<hbm>>
      %dma_wait3A_54 = tpu.memref_squeeze %dma_wait3A_53 : memref<1x1x125x80xi32, #tpu.memory_space<hbm>> -> memref<125x80xi32, #tpu.memory_space<hbm>>
      %dma_wait3A_55 = arith.constant 0 : i32
      %dma_wait3A_56 = arith.constant 0 : i32
      %dma_wait3A_57 = tpu.memref_slice %arg4[%run_scoped3A_3, %add3A, %dma_wait3A_55, %dma_wait3A_56] : memref<2x32x125x80xi32, #tpu.memory_space<hbm>> -> memref<1x1x125x80xi32, #tpu.memory_space<hbm>>
      %dma_wait3A_58 = tpu.memref_squeeze %dma_wait3A_57 : memref<1x1x125x80xi32, #tpu.memory_space<hbm>> -> memref<125x80xi32, #tpu.memory_space<hbm>>
      tpu.wait_dma2 semaphore(%run_scoped3A_42 : memref<!tpu.dma_semaphore, #tpu.memory_space<semaphore_mem>>) src(%dma_wait3A_58 : memref<125x80xi32, #tpu.memory_space<hbm>>) dst(%arg7 : memref<125x80xi32, #tpu.memory_space<vmem>>)
      tpu.yield
    }) : () -> ()
    "tpu.region"() ({
      %run_scoped3A_42 = tpu.sem_alloc : memref<!tpu.dma_semaphore, #tpu.memory_space<semaphore_mem>>
      %dma_start3A_43 = arith.constant 0 : i32
      %dma_start3A_44 = tpu.memref_slice %arg10[%mul3A_2, %dma_start3A_43] : memref<10000x128xf32, #tpu.memory_space<vmem_shared>> -> memref<624x128xf32, #tpu.memory_space<vmem_shared>>
      %dma_start3A_45 = arith.constant 0 : i32
      %dma_start3A_46 = tpu.memref_slice %arg2[%mul3A_2, %dma_start3A_45] : memref<10000x128xf32, #tpu.memory_space<hbm>> -> memref<624x128xf32, #tpu.memory_space<hbm>>
      tpu.enqueue_dma source(%dma_start3A_46 : memref<624x128xf32, #tpu.memory_space<hbm>>) target(%dma_start3A_44 : memref<624x128xf32, #tpu.memory_space<vmem_shared>>) target_semaphore(%run_scoped3A_42 : memref<!tpu.dma_semaphore, #tpu.memory_space<semaphore_mem>>)
      %dma_wait3A_47 = arith.constant 0 : i32
      %dma_wait3A_48 = tpu.memref_slice %arg10[%mul3A_2, %dma_wait3A_47] : memref<10000x128xf32, #tpu.memory_space<vmem_shared>> -> memref<624x128xf32, #tpu.memory_space<vmem_shared>>
      %dma_wait3A_49 = arith.constant 0 : i32
      %dma_wait3A_50 = tpu.memref_slice %arg2[%mul3A_2, %dma_wait3A_49] : memref<10000x128xf32, #tpu.memory_space<hbm>> -> memref<624x128xf32, #tpu.memory_space<hbm>>
      tpu.wait_dma2 semaphore(%run_scoped3A_42 : memref<!tpu.dma_semaphore, #tpu.memory_space<semaphore_mem>>) src(%dma_wait3A_50 : memref<624x128xf32, #tpu.memory_space<hbm>>) dst(%dma_wait3A_48 : memref<624x128xf32, #tpu.memory_space<vmem_shared>>)
      tpu.yield
    }) : () -> ()
    %eq3A = arith.constant 15 : i32
    %eq3A_4 = arith.cmpi eq, %arg1, %eq3A : i32
    %convert_element_type3A = arith.extui %eq3A_4 : i1 to i32
    %cond3A = arith.constant 0 : i32
    %cond3A_5 = arith.cmpi ne, %convert_element_type3A, %cond3A : i32
    scf.if %cond3A_5 {
      "tpu.region"() ({
        %run_scoped3A_42 = tpu.sem_alloc : memref<!tpu.dma_semaphore, #tpu.memory_space<semaphore_mem>>
        %dma_start3A_43 = arith.constant 9984 : i32
        %dma_start3A_44 = arith.constant 0 : i32
        %dma_start3A_45 = tpu.memref_slice %arg10[%dma_start3A_43, %dma_start3A_44] : memref<10000x128xf32, #tpu.memory_space<vmem_shared>> -> memref<16x128xf32, #tpu.memory_space<vmem_shared>>
        %dma_start3A_46 = arith.constant 9984 : i32
        %dma_start3A_47 = arith.constant 0 : i32
        %dma_start3A_48 = tpu.memref_slice %arg2[%dma_start3A_46, %dma_start3A_47] : memref<10000x128xf32, #tpu.memory_space<hbm>> -> memref<16x128xf32, #tpu.memory_space<hbm>>
        tpu.enqueue_dma source(%dma_start3A_48 : memref<16x128xf32, #tpu.memory_space<hbm>>) target(%dma_start3A_45 : memref<16x128xf32, #tpu.memory_space<vmem_shared>>) target_semaphore(%run_scoped3A_42 : memref<!tpu.dma_semaphore, #tpu.memory_space<semaphore_mem>>)
        %dma_wait3A_49 = arith.constant 9984 : i32
        %dma_wait3A_50 = arith.constant 0 : i32
        %dma_wait3A_51 = tpu.memref_slice %arg10[%dma_wait3A_49, %dma_wait3A_50] : memref<10000x128xf32, #tpu.memory_space<vmem_shared>> -> memref<16x128xf32, #tpu.memory_space<vmem_shared>>
        %dma_wait3A_52 = arith.constant 9984 : i32
        %dma_wait3A_53 = arith.constant 0 : i32
        %dma_wait3A_54 = tpu.memref_slice %arg2[%dma_wait3A_52, %dma_wait3A_53] : memref<10000x128xf32, #tpu.memory_space<hbm>> -> memref<16x128xf32, #tpu.memory_space<hbm>>
        tpu.wait_dma2 semaphore(%run_scoped3A_42 : memref<!tpu.dma_semaphore, #tpu.memory_space<semaphore_mem>>) src(%dma_wait3A_54 : memref<16x128xf32, #tpu.memory_space<hbm>>) dst(%dma_wait3A_51 : memref<16x128xf32, #tpu.memory_space<vmem_shared>>)
        tpu.yield
      }) : () -> ()
    } else {
    }
    %barrier3A = arith.constant 0 : index
    tpu.barrier barrier_id(%barrier3A)
    %mul3A_6 = arith.constant 0 : i32
    %mul3A_7 = arith.constant 80 : i32
    %mul3A_8 = arith.muli %mul3A_6, %mul3A_7 : i32
    %dma_start3A = tpu.memref_slice %arg6[%mul3A_8] : memref<10000xi32, #tpu.memory_space<vmem>> -> memref<80xi32, #tpu.memory_space<vmem>>
    %dma_start3A_9 = arith.constant 0 : i32
    %dma_start3A_10 = arith.constant 0 : i32
    %dma_start3A_11 = tpu.memref_slice %arg2[%dma_start3A_9, %dma_start3A_10] : memref<10000x128xf32, #tpu.memory_space<hbm>> -> memref<10000x128xf32, #tpu.memory_space<hbm>>
    tpu.enqueue_indirect_dma source(%dma_start3A_11 : memref<10000x128xf32, #tpu.memory_space<hbm>>) target(%arg8 : memref<80x128xf32, #tpu.memory_space<vmem>>) offsets(%dma_start3A : memref<80xi32, #tpu.memory_space<vmem>>) semaphore(%arg11 : memref<!tpu.dma_semaphore, #tpu.memory_space<semaphore_mem>>)
    %sub3A = arith.constant 62 : i32
    %sub3A_12 = arith.constant 0 : i32
    %sub3A_13 = arith.subi %sub3A, %sub3A_12 : i32
    %sub3A_14 = arith.constant 1 : i32
    %sub3A_15 = arith.constant 1 : i32
    %sub3A_16 = arith.subi %sub3A_14, %sub3A_15 : i32
    %add3A_17 = arith.addi %sub3A_13, %sub3A_16 : i32
    %div3A = arith.constant 1 : i32
    %div3A_18 = arith.divsi %add3A_17, %div3A : i32
    %while3A = arith.constant 1 : i32
    %while3A_19 = arith.constant 0 : i32
    %while3A_20 = arith.constant 0 : i32
    %while3A_21 = arith.subi %div3A_18, %while3A_20 : i32
    %while3A_22 = arith.addi %while3A_20, %while3A_21 : i32
    %while3A_23 = arith.constant 1 : i32
    %while3A_24 = arith.divsi %while3A_21, %while3A_23 : i32
    %while3A_25 = arith.muli %while3A_24, %while3A_23 : i32
    %while3A_26 = arith.addi %while3A_20, %while3A_25 : i32
    %while3A_27 = arith.constant 1 : i32
    scf.for %while3A_42 = %while3A_20 to %while3A_26 step %while3A_27  : i32 {
      %mul3A_43 = arith.muli %while3A_42, %while3A : i32
      %add3A_44 = arith.addi %while3A_19, %mul3A_43 : i32
      %mul3A_45 = arith.constant 2 : i32
      %mul3A_46 = arith.muli %mul3A_45, %add3A_44 : i32
      %mul3A_47 = arith.constant 80 : i32
      %mul3A_48 = arith.muli %mul3A_46, %mul3A_47 : i32
      %dma_wait3A_49 = tpu.memref_slice %arg6[%mul3A_48] : memref<10000xi32, #tpu.memory_space<vmem>> -> memref<80xi32, #tpu.memory_space<vmem>>
      %dma_wait3A_50 = arith.constant 0 : i32
      %dma_wait3A_51 = arith.constant 0 : i32
      %dma_wait3A_52 = tpu.memref_slice %arg2[%dma_wait3A_50, %dma_wait3A_51] : memref<10000x128xf32, #tpu.memory_space<hbm>> -> memref<10000x128xf32, #tpu.memory_space<hbm>>
      tpu.wait_indirect_dma semaphore(%arg11 : memref<!tpu.dma_semaphore, #tpu.memory_space<semaphore_mem>>) src(%dma_wait3A_52 : memref<10000x128xf32, #tpu.memory_space<hbm>>) dst(%arg8 : memref<80x128xf32, #tpu.memory_space<vmem>>)
      %add3A_53 = arith.constant 1 : i32
      %add3A_54 = arith.addi %mul3A_46, %add3A_53 : i32
      %mul3A_55 = arith.constant 80 : i32
      %mul3A_56 = arith.muli %add3A_54, %mul3A_55 : i32
      %dma_start3A_57 = tpu.memref_slice %arg6[%mul3A_56] : memref<10000xi32, #tpu.memory_space<vmem>> -> memref<80xi32, #tpu.memory_space<vmem>>
      %dma_start3A_58 = arith.constant 0 : i32
      %dma_start3A_59 = arith.constant 0 : i32
      %dma_start3A_60 = tpu.memref_slice %arg2[%dma_start3A_58, %dma_start3A_59] : memref<10000x128xf32, #tpu.memory_space<hbm>> -> memref<10000x128xf32, #tpu.memory_space<hbm>>
      tpu.enqueue_indirect_dma source(%dma_start3A_60 : memref<10000x128xf32, #tpu.memory_space<hbm>>) target(%arg9 : memref<80x128xf32, #tpu.memory_space<vmem>>) offsets(%dma_start3A_57 : memref<80xi32, #tpu.memory_space<vmem>>) semaphore(%arg12 : memref<!tpu.dma_semaphore, #tpu.memory_space<semaphore_mem>>)
      "tpu.region"() ({
        %run_scoped3A_79 = tpu.sem_alloc : memref<!tpu.dma_semaphore, #tpu.memory_space<semaphore_mem>>
        %dma_start3A_80 = arith.constant 0 : i32
        %dma_start3A_81 = tpu.memref_slice %arg7[%mul3A_46, %dma_start3A_80] : memref<125x80xi32, #tpu.memory_space<vmem>> -> memref<1x80xi32, #tpu.memory_space<vmem>>
        %dma_start3A_82 = tpu.memref_squeeze %dma_start3A_81 : memref<1x80xi32, #tpu.memory_space<vmem>> -> memref<80xi32, #tpu.memory_space<vmem>>
        %dma_start3A_83 = arith.constant 0 : i32
        %dma_start3A_84 = arith.constant 0 : i32
        %dma_start3A_85 = tpu.memref_slice %arg10[%dma_start3A_83, %dma_start3A_84] : memref<10000x128xf32, #tpu.memory_space<vmem_shared>> -> memref<10000x128xf32, #tpu.memory_space<vmem_shared>>
        tpu.enqueue_indirect_dma source(%arg8 : memref<80x128xf32, #tpu.memory_space<vmem>>) target(%dma_start3A_85 : memref<10000x128xf32, #tpu.memory_space<vmem_shared>>) offsets(%dma_start3A_82 : memref<80xi32, #tpu.memory_space<vmem>>) semaphore(%run_scoped3A_79 : memref<!tpu.dma_semaphore, #tpu.memory_space<semaphore_mem>>) {add = true}
        %dma_wait3A_86 = arith.constant 0 : i32
        %dma_wait3A_87 = tpu.memref_slice %arg7[%mul3A_46, %dma_wait3A_86] : memref<125x80xi32, #tpu.memory_space<vmem>> -> memref<1x80xi32, #tpu.memory_space<vmem>>
        %dma_wait3A_88 = tpu.memref_squeeze %dma_wait3A_87 : memref<1x80xi32, #tpu.memory_space<vmem>> -> memref<80xi32, #tpu.memory_space<vmem>>
        %dma_wait3A_89 = arith.constant 0 : i32
        %dma_wait3A_90 = arith.constant 0 : i32
        %dma_wait3A_91 = tpu.memref_slice %arg10[%dma_wait3A_89, %dma_wait3A_90] : memref<10000x128xf32, #tpu.memory_space<vmem_shared>> -> memref<10000x128xf32, #tpu.memory_space<vmem_shared>>
        tpu.wait_indirect_dma semaphore(%run_scoped3A_79 : memref<!tpu.dma_semaphore, #tpu.memory_space<semaphore_mem>>) src(%arg8 : memref<80x128xf32, #tpu.memory_space<vmem>>) dst(%dma_wait3A_91 : memref<10000x128xf32, #tpu.memory_space<vmem_shared>>)
        tpu.yield
      }) : () -> ()
      %add3A_61 = arith.constant 1 : i32
      %add3A_62 = arith.addi %mul3A_46, %add3A_61 : i32
      %mul3A_63 = arith.constant 80 : i32
      %mul3A_64 = arith.muli %add3A_62, %mul3A_63 : i32
      %dma_wait3A_65 = tpu.memref_slice %arg6[%mul3A_64] : memref<10000xi32, #tpu.memory_space<vmem>> -> memref<80xi32, #tpu.memory_space<vmem>>
      %dma_wait3A_66 = arith.constant 0 : i32
      %dma_wait3A_67 = arith.constant 0 : i32
      %dma_wait3A_68 = tpu.memref_slice %arg2[%dma_wait3A_66, %dma_wait3A_67] : memref<10000x128xf32, #tpu.memory_space<hbm>> -> memref<10000x128xf32, #tpu.memory_space<hbm>>
      tpu.wait_indirect_dma semaphore(%arg12 : memref<!tpu.dma_semaphore, #tpu.memory_space<semaphore_mem>>) src(%dma_wait3A_68 : memref<10000x128xf32, #tpu.memory_space<hbm>>) dst(%arg9 : memref<80x128xf32, #tpu.memory_space<vmem>>)
      %add3A_69 = arith.constant 2 : i32
      %add3A_70 = arith.addi %mul3A_46, %add3A_69 : i32
      %mul3A_71 = arith.constant 80 : i32
      %mul3A_72 = arith.muli %add3A_70, %mul3A_71 : i32
      %dma_start3A_73 = tpu.memref_slice %arg6[%mul3A_72] : memref<10000xi32, #tpu.memory_space<vmem>> -> memref<80xi32, #tpu.memory_space<vmem>>
      %dma_start3A_74 = arith.constant 0 : i32
      %dma_start3A_75 = arith.constant 0 : i32
      %dma_start3A_76 = tpu.memref_slice %arg2[%dma_start3A_74, %dma_start3A_75] : memref<10000x128xf32, #tpu.memory_space<hbm>> -> memref<10000x128xf32, #tpu.memory_space<hbm>>
      tpu.enqueue_indirect_dma source(%dma_start3A_76 : memref<10000x128xf32, #tpu.memory_space<hbm>>) target(%arg8 : memref<80x128xf32, #tpu.memory_space<vmem>>) offsets(%dma_start3A_73 : memref<80xi32, #tpu.memory_space<vmem>>) semaphore(%arg11 : memref<!tpu.dma_semaphore, #tpu.memory_space<semaphore_mem>>)
      %add3A_77 = arith.constant 1 : i32
      %add3A_78 = arith.addi %mul3A_46, %add3A_77 : i32
      "tpu.region"() ({
        %run_scoped3A_79 = tpu.sem_alloc : memref<!tpu.dma_semaphore, #tpu.memory_space<semaphore_mem>>
        %dma_start3A_80 = arith.constant 0 : i32
        %dma_start3A_81 = tpu.memref_slice %arg7[%add3A_78, %dma_start3A_80] : memref<125x80xi32, #tpu.memory_space<vmem>> -> memref<1x80xi32, #tpu.memory_space<vmem>>
        %dma_start3A_82 = tpu.memref_squeeze %dma_start3A_81 : memref<1x80xi32, #tpu.memory_space<vmem>> -> memref<80xi32, #tpu.memory_space<vmem>>
        %dma_start3A_83 = arith.constant 0 : i32
        %dma_start3A_84 = arith.constant 0 : i32
        %dma_start3A_85 = tpu.memref_slice %arg10[%dma_start3A_83, %dma_start3A_84] : memref<10000x128xf32, #tpu.memory_space<vmem_shared>> -> memref<10000x128xf32, #tpu.memory_space<vmem_shared>>
        tpu.enqueue_indirect_dma source(%arg9 : memref<80x128xf32, #tpu.memory_space<vmem>>) target(%dma_start3A_85 : memref<10000x128xf32, #tpu.memory_space<vmem_shared>>) offsets(%dma_start3A_82 : memref<80xi32, #tpu.memory_space<vmem>>) semaphore(%run_scoped3A_79 : memref<!tpu.dma_semaphore, #tpu.memory_space<semaphore_mem>>) {add = true}
        %dma_wait3A_86 = arith.constant 0 : i32
        %dma_wait3A_87 = tpu.memref_slice %arg7[%add3A_78, %dma_wait3A_86] : memref<125x80xi32, #tpu.memory_space<vmem>> -> memref<1x80xi32, #tpu.memory_space<vmem>>
        %dma_wait3A_88 = tpu.memref_squeeze %dma_wait3A_87 : memref<1x80xi32, #tpu.memory_space<vmem>> -> memref<80xi32, #tpu.memory_space<vmem>>
        %dma_wait3A_89 = arith.constant 0 : i32
        %dma_wait3A_90 = arith.constant 0 : i32
        %dma_wait3A_91 = tpu.memref_slice %arg10[%dma_wait3A_89, %dma_wait3A_90] : memref<10000x128xf32, #tpu.memory_space<vmem_shared>> -> memref<10000x128xf32, #tpu.memory_space<vmem_shared>>
        tpu.wait_indirect_dma semaphore(%run_scoped3A_79 : memref<!tpu.dma_semaphore, #tpu.memory_space<semaphore_mem>>) src(%arg9 : memref<80x128xf32, #tpu.memory_space<vmem>>) dst(%dma_wait3A_91 : memref<10000x128xf32, #tpu.memory_space<vmem_shared>>)
        tpu.yield
      }) : () -> ()
    }
    %while3A_28 = arith.constant 1 : i32
    scf.for %while3A_42 = %while3A_26 to %while3A_22 step %while3A_28  : i32 {
      %mul3A_43 = arith.muli %while3A_42, %while3A : i32
      %add3A_44 = arith.addi %while3A_19, %mul3A_43 : i32
      %mul3A_45 = arith.constant 2 : i32
      %mul3A_46 = arith.muli %mul3A_45, %add3A_44 : i32
      %mul3A_47 = arith.constant 80 : i32
      %mul3A_48 = arith.muli %mul3A_46, %mul3A_47 : i32
      %dma_wait3A_49 = tpu.memref_slice %arg6[%mul3A_48] : memref<10000xi32, #tpu.memory_space<vmem>> -> memref<80xi32, #tpu.memory_space<vmem>>
      %dma_wait3A_50 = arith.constant 0 : i32
      %dma_wait3A_51 = arith.constant 0 : i32
      %dma_wait3A_52 = tpu.memref_slice %arg2[%dma_wait3A_50, %dma_wait3A_51] : memref<10000x128xf32, #tpu.memory_space<hbm>> -> memref<10000x128xf32, #tpu.memory_space<hbm>>
      tpu.wait_indirect_dma semaphore(%arg11 : memref<!tpu.dma_semaphore, #tpu.memory_space<semaphore_mem>>) src(%dma_wait3A_52 : memref<10000x128xf32, #tpu.memory_space<hbm>>) dst(%arg8 : memref<80x128xf32, #tpu.memory_space<vmem>>)
      %add3A_53 = arith.constant 1 : i32
      %add3A_54 = arith.addi %mul3A_46, %add3A_53 : i32
      %mul3A_55 = arith.constant 80 : i32
      %mul3A_56 = arith.muli %add3A_54, %mul3A_55 : i32
      %dma_start3A_57 = tpu.memref_slice %arg6[%mul3A_56] : memref<10000xi32, #tpu.memory_space<vmem>> -> memref<80xi32, #tpu.memory_space<vmem>>
      %dma_start3A_58 = arith.constant 0 : i32
      %dma_start3A_59 = arith.constant 0 : i32
      %dma_start3A_60 = tpu.memref_slice %arg2[%dma_start3A_58, %dma_start3A_59] : memref<10000x128xf32, #tpu.memory_space<hbm>> -> memref<10000x128xf32, #tpu.memory_space<hbm>>
      tpu.enqueue_indirect_dma source(%dma_start3A_60 : memref<10000x128xf32, #tpu.memory_space<hbm>>) target(%arg9 : memref<80x128xf32, #tpu.memory_space<vmem>>) offsets(%dma_start3A_57 : memref<80xi32, #tpu.memory_space<vmem>>) semaphore(%arg12 : memref<!tpu.dma_semaphore, #tpu.memory_space<semaphore_mem>>)
      "tpu.region"() ({
        %run_scoped3A_79 = tpu.sem_alloc : memref<!tpu.dma_semaphore, #tpu.memory_space<semaphore_mem>>
        %dma_start3A_80 = arith.constant 0 : i32
        %dma_start3A_81 = tpu.memref_slice %arg7[%mul3A_46, %dma_start3A_80] : memref<125x80xi32, #tpu.memory_space<vmem>> -> memref<1x80xi32, #tpu.memory_space<vmem>>
        %dma_start3A_82 = tpu.memref_squeeze %dma_start3A_81 : memref<1x80xi32, #tpu.memory_space<vmem>> -> memref<80xi32, #tpu.memory_space<vmem>>
        %dma_start3A_83 = arith.constant 0 : i32
        %dma_start3A_84 = arith.constant 0 : i32
        %dma_start3A_85 = tpu.memref_slice %arg10[%dma_start3A_83, %dma_start3A_84] : memref<10000x128xf32, #tpu.memory_space<vmem_shared>> -> memref<10000x128xf32, #tpu.memory_space<vmem_shared>>
        tpu.enqueue_indirect_dma source(%arg8 : memref<80x128xf32, #tpu.memory_space<vmem>>) target(%dma_start3A_85 : memref<10000x128xf32, #tpu.memory_space<vmem_shared>>) offsets(%dma_start3A_82 : memref<80xi32, #tpu.memory_space<vmem>>) semaphore(%run_scoped3A_79 : memref<!tpu.dma_semaphore, #tpu.memory_space<semaphore_mem>>) {add = true}
        %dma_wait3A_86 = arith.constant 0 : i32
        %dma_wait3A_87 = tpu.memref_slice %arg7[%mul3A_46, %dma_wait3A_86] : memref<125x80xi32, #tpu.memory_space<vmem>> -> memref<1x80xi32, #tpu.memory_space<vmem>>
        %dma_wait3A_88 = tpu.memref_squeeze %dma_wait3A_87 : memref<1x80xi32, #tpu.memory_space<vmem>> -> memref<80xi32, #tpu.memory_space<vmem>>
        %dma_wait3A_89 = arith.constant 0 : i32
        %dma_wait3A_90 = arith.constant 0 : i32
        %dma_wait3A_91 = tpu.memref_slice %arg10[%dma_wait3A_89, %dma_wait3A_90] : memref<10000x128xf32, #tpu.memory_space<vmem_shared>> -> memref<10000x128xf32, #tpu.memory_space<vmem_shared>>
        tpu.wait_indirect_dma semaphore(%run_scoped3A_79 : memref<!tpu.dma_semaphore, #tpu.memory_space<semaphore_mem>>) src(%arg8 : memref<80x128xf32, #tpu.memory_space<vmem>>) dst(%dma_wait3A_91 : memref<10000x128xf32, #tpu.memory_space<vmem_shared>>)
        tpu.yield
      }) : () -> ()
      %add3A_61 = arith.constant 1 : i32
      %add3A_62 = arith.addi %mul3A_46, %add3A_61 : i32
      %mul3A_63 = arith.constant 80 : i32
      %mul3A_64 = arith.muli %add3A_62, %mul3A_63 : i32
      %dma_wait3A_65 = tpu.memref_slice %arg6[%mul3A_64] : memref<10000xi32, #tpu.memory_space<vmem>> -> memref<80xi32, #tpu.memory_space<vmem>>
      %dma_wait3A_66 = arith.constant 0 : i32
      %dma_wait3A_67 = arith.constant 0 : i32
      %dma_wait3A_68 = tpu.memref_slice %arg2[%dma_wait3A_66, %dma_wait3A_67] : memref<10000x128xf32, #tpu.memory_space<hbm>> -> memref<10000x128xf32, #tpu.memory_space<hbm>>
      tpu.wait_indirect_dma semaphore(%arg12 : memref<!tpu.dma_semaphore, #tpu.memory_space<semaphore_mem>>) src(%dma_wait3A_68 : memref<10000x128xf32, #tpu.memory_space<hbm>>) dst(%arg9 : memref<80x128xf32, #tpu.memory_space<vmem>>)
      %add3A_69 = arith.constant 2 : i32
      %add3A_70 = arith.addi %mul3A_46, %add3A_69 : i32
      %mul3A_71 = arith.constant 80 : i32
      %mul3A_72 = arith.muli %add3A_70, %mul3A_71 : i32
      %dma_start3A_73 = tpu.memref_slice %arg6[%mul3A_72] : memref<10000xi32, #tpu.memory_space<vmem>> -> memref<80xi32, #tpu.memory_space<vmem>>
      %dma_start3A_74 = arith.constant 0 : i32
      %dma_start3A_75 = arith.constant 0 : i32
      %dma_start3A_76 = tpu.memref_slice %arg2[%dma_start3A_74, %dma_start3A_75] : memref<10000x128xf32, #tpu.memory_space<hbm>> -> memref<10000x128xf32, #tpu.memory_space<hbm>>
      tpu.enqueue_indirect_dma source(%dma_start3A_76 : memref<10000x128xf32, #tpu.memory_space<hbm>>) target(%arg8 : memref<80x128xf32, #tpu.memory_space<vmem>>) offsets(%dma_start3A_73 : memref<80xi32, #tpu.memory_space<vmem>>) semaphore(%arg11 : memref<!tpu.dma_semaphore, #tpu.memory_space<semaphore_mem>>)
      %add3A_77 = arith.constant 1 : i32
      %add3A_78 = arith.addi %mul3A_46, %add3A_77 : i32
      "tpu.region"() ({
        %run_scoped3A_79 = tpu.sem_alloc : memref<!tpu.dma_semaphore, #tpu.memory_space<semaphore_mem>>
        %dma_start3A_80 = arith.constant 0 : i32
        %dma_start3A_81 = tpu.memref_slice %arg7[%add3A_78, %dma_start3A_80] : memref<125x80xi32, #tpu.memory_space<vmem>> -> memref<1x80xi32, #tpu.memory_space<vmem>>
        %dma_start3A_82 = tpu.memref_squeeze %dma_start3A_81 : memref<1x80xi32, #tpu.memory_space<vmem>> -> memref<80xi32, #tpu.memory_space<vmem>>
        %dma_start3A_83 = arith.constant 0 : i32
        %dma_start3A_84 = arith.constant 0 : i32
        %dma_start3A_85 = tpu.memref_slice %arg10[%dma_start3A_83, %dma_start3A_84] : memref<10000x128xf32, #tpu.memory_space<vmem_shared>> -> memref<10000x128xf32, #tpu.memory_space<vmem_shared>>
        tpu.enqueue_indirect_dma source(%arg9 : memref<80x128xf32, #tpu.memory_space<vmem>>) target(%dma_start3A_85 : memref<10000x128xf32, #tpu.memory_space<vmem_shared>>) offsets(%dma_start3A_82 : memref<80xi32, #tpu.memory_space<vmem>>) semaphore(%run_scoped3A_79 : memref<!tpu.dma_semaphore, #tpu.memory_space<semaphore_mem>>) {add = true}
        %dma_wait3A_86 = arith.constant 0 : i32
        %dma_wait3A_87 = tpu.memref_slice %arg7[%add3A_78, %dma_wait3A_86] : memref<125x80xi32, #tpu.memory_space<vmem>> -> memref<1x80xi32, #tpu.memory_space<vmem>>
        %dma_wait3A_88 = tpu.memref_squeeze %dma_wait3A_87 : memref<1x80xi32, #tpu.memory_space<vmem>> -> memref<80xi32, #tpu.memory_space<vmem>>
        %dma_wait3A_89 = arith.constant 0 : i32
        %dma_wait3A_90 = arith.constant 0 : i32
        %dma_wait3A_91 = tpu.memref_slice %arg10[%dma_wait3A_89, %dma_wait3A_90] : memref<10000x128xf32, #tpu.memory_space<vmem_shared>> -> memref<10000x128xf32, #tpu.memory_space<vmem_shared>>
        tpu.wait_indirect_dma semaphore(%run_scoped3A_79 : memref<!tpu.dma_semaphore, #tpu.memory_space<semaphore_mem>>) src(%arg9 : memref<80x128xf32, #tpu.memory_space<vmem>>) dst(%dma_wait3A_91 : memref<10000x128xf32, #tpu.memory_space<vmem_shared>>)
        tpu.yield
      }) : () -> ()
    }
    %mul3A_29 = arith.constant 124 : i32
    %mul3A_30 = arith.constant 80 : i32
    %mul3A_31 = arith.muli %mul3A_29, %mul3A_30 : i32
    %dma_wait3A = tpu.memref_slice %arg6[%mul3A_31] : memref<10000xi32, #tpu.memory_space<vmem>> -> memref<80xi32, #tpu.memory_space<vmem>>
    %dma_wait3A_32 = arith.constant 0 : i32
    %dma_wait3A_33 = arith.constant 0 : i32
    %dma_wait3A_34 = tpu.memref_slice %arg2[%dma_wait3A_32, %dma_wait3A_33] : memref<10000x128xf32, #tpu.memory_space<hbm>> -> memref<10000x128xf32, #tpu.memory_space<hbm>>
    tpu.wait_indirect_dma semaphore(%arg11 : memref<!tpu.dma_semaphore, #tpu.memory_space<semaphore_mem>>) src(%dma_wait3A_34 : memref<10000x128xf32, #tpu.memory_space<hbm>>) dst(%arg8 : memref<80x128xf32, #tpu.memory_space<vmem>>)
    %run_scoped3A_35 = arith.constant 124 : i32
    "tpu.region"() ({
      %run_scoped3A_42 = tpu.sem_alloc : memref<!tpu.dma_semaphore, #tpu.memory_space<semaphore_mem>>
      %dma_start3A_43 = arith.constant 0 : i32
      %dma_start3A_44 = tpu.memref_slice %arg7[%run_scoped3A_35, %dma_start3A_43] : memref<125x80xi32, #tpu.memory_space<vmem>> -> memref<1x80xi32, #tpu.memory_space<vmem>>
      %dma_start3A_45 = tpu.memref_squeeze %dma_start3A_44 : memref<1x80xi32, #tpu.memory_space<vmem>> -> memref<80xi32, #tpu.memory_space<vmem>>
      %dma_start3A_46 = arith.constant 0 : i32
      %dma_start3A_47 = arith.constant 0 : i32
      %dma_start3A_48 = tpu.memref_slice %arg10[%dma_start3A_46, %dma_start3A_47] : memref<10000x128xf32, #tpu.memory_space<vmem_shared>> -> memref<10000x128xf32, #tpu.memory_space<vmem_shared>>
      tpu.enqueue_indirect_dma source(%arg8 : memref<80x128xf32, #tpu.memory_space<vmem>>) target(%dma_start3A_48 : memref<10000x128xf32, #tpu.memory_space<vmem_shared>>) offsets(%dma_start3A_45 : memref<80xi32, #tpu.memory_space<vmem>>) semaphore(%run_scoped3A_42 : memref<!tpu.dma_semaphore, #tpu.memory_space<semaphore_mem>>) {add = true}
      %dma_wait3A_49 = arith.constant 0 : i32
      %dma_wait3A_50 = tpu.memref_slice %arg7[%run_scoped3A_35, %dma_wait3A_49] : memref<125x80xi32, #tpu.memory_space<vmem>> -> memref<1x80xi32, #tpu.memory_space<vmem>>
      %dma_wait3A_51 = tpu.memref_squeeze %dma_wait3A_50 : memref<1x80xi32, #tpu.memory_space<vmem>> -> memref<80xi32, #tpu.memory_space<vmem>>
      %dma_wait3A_52 = arith.constant 0 : i32
      %dma_wait3A_53 = arith.constant 0 : i32
      %dma_wait3A_54 = tpu.memref_slice %arg10[%dma_wait3A_52, %dma_wait3A_53] : memref<10000x128xf32, #tpu.memory_space<vmem_shared>> -> memref<10000x128xf32, #tpu.memory_space<vmem_shared>>
      tpu.wait_indirect_dma semaphore(%run_scoped3A_42 : memref<!tpu.dma_semaphore, #tpu.memory_space<semaphore_mem>>) src(%arg8 : memref<80x128xf32, #tpu.memory_space<vmem>>) dst(%dma_wait3A_54 : memref<10000x128xf32, #tpu.memory_space<vmem_shared>>)
      tpu.yield
    }) : () -> ()
    %barrier3A_36 = arith.constant 0 : index
    tpu.barrier barrier_id(%barrier3A_36)
    "tpu.region"() ({
      %run_scoped3A_42 = tpu.sem_alloc : memref<!tpu.dma_semaphore, #tpu.memory_space<semaphore_mem>>
      %dma_start3A_43 = arith.constant 0 : i32
      %dma_start3A_44 = arith.constant 0 : i32
      %dma_start3A_45 = tpu.memref_slice %arg5[%arg0, %dma_start3A_43, %dma_start3A_44] : memref<2x10000x128xf32, #tpu.memory_space<hbm>> -> memref<1x10000x128xf32, #tpu.memory_space<hbm>>
      %dma_start3A_46 = tpu.memref_squeeze %dma_start3A_45 : memref<1x10000x128xf32, #tpu.memory_space<hbm>> -> memref<10000x128xf32, #tpu.memory_space<hbm>>
      %dma_start3A_47 = arith.constant 0 : i32
      %dma_start3A_48 = tpu.memref_slice %dma_start3A_46[%mul3A_2, %dma_start3A_47] : memref<10000x128xf32, #tpu.memory_space<hbm>> -> memref<624x128xf32, #tpu.memory_space<hbm>>
      %dma_start3A_49 = arith.constant 0 : i32
      %dma_start3A_50 = tpu.memref_slice %arg10[%mul3A_2, %dma_start3A_49] : memref<10000x128xf32, #tpu.memory_space<vmem_shared>> -> memref<624x128xf32, #tpu.memory_space<vmem_shared>>
      tpu.enqueue_dma source(%dma_start3A_50 : memref<624x128xf32, #tpu.memory_space<vmem_shared>>) target(%dma_start3A_48 : memref<624x128xf32, #tpu.memory_space<hbm>>) target_semaphore(%run_scoped3A_42 : memref<!tpu.dma_semaphore, #tpu.memory_space<semaphore_mem>>)
      %dma_wait3A_51 = arith.constant 0 : i32
      %dma_wait3A_52 = arith.constant 0 : i32
      %dma_wait3A_53 = tpu.memref_slice %arg5[%arg0, %dma_wait3A_51, %dma_wait3A_52] : memref<2x10000x128xf32, #tpu.memory_space<hbm>> -> memref<1x10000x128xf32, #tpu.memory_space<hbm>>
      %dma_wait3A_54 = tpu.memref_squeeze %dma_wait3A_53 : memref<1x10000x128xf32, #tpu.memory_space<hbm>> -> memref<10000x128xf32, #tpu.memory_space<hbm>>
      %dma_wait3A_55 = arith.constant 0 : i32
      %dma_wait3A_56 = tpu.memref_slice %dma_wait3A_54[%mul3A_2, %dma_wait3A_55] : memref<10000x128xf32, #tpu.memory_space<hbm>> -> memref<624x128xf32, #tpu.memory_space<hbm>>
      %dma_wait3A_57 = arith.constant 0 : i32
      %dma_wait3A_58 = tpu.memref_slice %arg10[%mul3A_2, %dma_wait3A_57] : memref<10000x128xf32, #tpu.memory_space<vmem_shared>> -> memref<624x128xf32, #tpu.memory_space<vmem_shared>>
      tpu.wait_dma2 semaphore(%run_scoped3A_42 : memref<!tpu.dma_semaphore, #tpu.memory_space<semaphore_mem>>) src(%dma_wait3A_58 : memref<624x128xf32, #tpu.memory_space<vmem_shared>>) dst(%dma_wait3A_56 : memref<624x128xf32, #tpu.memory_space<hbm>>)
      tpu.yield
    }) : () -> ()
    %eq3A_37 = arith.constant 15 : i32
    %eq3A_38 = arith.cmpi eq, %arg1, %eq3A_37 : i32
    %convert_element_type3A_39 = arith.extui %eq3A_38 : i1 to i32
    %cond3A_40 = arith.constant 0 : i32
    %cond3A_41 = arith.cmpi ne, %convert_element_type3A_39, %cond3A_40 : i32
    scf.if %cond3A_41 {
      "tpu.region"() ({
        %run_scoped3A_42 = tpu.sem_alloc : memref<!tpu.dma_semaphore, #tpu.memory_space<semaphore_mem>>
        %dma_start3A_43 = arith.constant 0 : i32
        %dma_start3A_44 = arith.constant 0 : i32
        %dma_start3A_45 = tpu.memref_slice %arg5[%arg0, %dma_start3A_43, %dma_start3A_44] : memref<2x10000x128xf32, #tpu.memory_space<hbm>> -> memref<1x10000x128xf32, #tpu.memory_space<hbm>>
        %dma_start3A_46 = tpu.memref_squeeze %dma_start3A_45 : memref<1x10000x128xf32, #tpu.memory_space<hbm>> -> memref<10000x128xf32, #tpu.memory_space<hbm>>
        %dma_start3A_47 = arith.constant 9984 : i32
        %dma_start3A_48 = arith.constant 0 : i32
        %dma_start3A_49 = tpu.memref_slice %dma_start3A_46[%dma_start3A_47, %dma_start3A_48] : memref<10000x128xf32, #tpu.memory_space<hbm>> -> memref<16x128xf32, #tpu.memory_space<hbm>>
        %dma_start3A_50 = arith.constant 9984 : i32
        %dma_start3A_51 = arith.constant 0 : i32
        %dma_start3A_52 = tpu.memref_slice %arg10[%dma_start3A_50, %dma_start3A_51] : memref<10000x128xf32, #tpu.memory_space<vmem_shared>> -> memref<16x128xf32, #tpu.memory_space<vmem_shared>>
        tpu.enqueue_dma source(%dma_start3A_52 : memref<16x128xf32, #tpu.memory_space<vmem_shared>>) target(%dma_start3A_49 : memref<16x128xf32, #tpu.memory_space<hbm>>) target_semaphore(%run_scoped3A_42 : memref<!tpu.dma_semaphore, #tpu.memory_space<semaphore_mem>>)
        %dma_wait3A_53 = arith.constant 0 : i32
        %dma_wait3A_54 = arith.constant 0 : i32
        %dma_wait3A_55 = tpu.memref_slice %arg5[%arg0, %dma_wait3A_53, %dma_wait3A_54] : memref<2x10000x128xf32, #tpu.memory_space<hbm>> -> memref<1x10000x128xf32, #tpu.memory_space<hbm>>
        %dma_wait3A_56 = tpu.memref_squeeze %dma_wait3A_55 : memref<1x10000x128xf32, #tpu.memory_space<hbm>> -> memref<10000x128xf32, #tpu.memory_space<hbm>>
        %dma_wait3A_57 = arith.constant 9984 : i32
        %dma_wait3A_58 = arith.constant 0 : i32
        %dma_wait3A_59 = tpu.memref_slice %dma_wait3A_56[%dma_wait3A_57, %dma_wait3A_58] : memref<10000x128xf32, #tpu.memory_space<hbm>> -> memref<16x128xf32, #tpu.memory_space<hbm>>
        %dma_wait3A_60 = arith.constant 9984 : i32
        %dma_wait3A_61 = arith.constant 0 : i32
        %dma_wait3A_62 = tpu.memref_slice %arg10[%dma_wait3A_60, %dma_wait3A_61] : memref<10000x128xf32, #tpu.memory_space<vmem_shared>> -> memref<16x128xf32, #tpu.memory_space<vmem_shared>>
        tpu.wait_dma2 semaphore(%run_scoped3A_42 : memref<!tpu.dma_semaphore, #tpu.memory_space<semaphore_mem>>) src(%dma_wait3A_62 : memref<16x128xf32, #tpu.memory_space<vmem_shared>>) dst(%dma_wait3A_59 : memref<16x128xf32, #tpu.memory_space<hbm>>)
        tpu.yield
      }) : () -> ()
    } else {
    }
    return
  }
}

module attributes {stable_mosaic.version = 14 : i64} {
  func.func @body(%arg0: i32, %arg1: memref<1024x128xf32, #tpu.memory_space<vmem>>, %arg2: memref<128x128xf32, #tpu.memory_space<vmem>>, %arg3: memref<32x1024xf32, #tpu.memory_space<vmem>>, %arg4: memref<1024x128xf32, #tpu.memory_space<vmem>>) attributes {dimension_semantics = [#tpu.dimension_semantics<arbitrary>], iteration_bounds = array<i64: 10>, scalar_prefetch = 0 : i64, scratch_operands = 0 : i64, tpu.core_type = #tpu.core_type<tc>, window_params = [{transform_indices = @transform_0, window_bounds = array<i64: 1024, 128>}, {pipeline_mode = #tpu.pipeline_mode<synchronous>, transform_indices = @transform_1, window_bounds = array<i64: 128, 128>}, {transform_indices = @transform_2, window_bounds = array<i64: 32, 1024>}, {transform_indices = @transform_3, window_bounds = array<i64: 1024, 128>}]} {
    %get3A = arith.constant 0 : index
    %get3A_0 = arith.constant 0 : index
    %get3A_1 = vector.load %arg3[%get3A, %get3A_0] : memref<32x1024xf32, #tpu.memory_space<vmem>>, vector<32x1024xf32>
    %reduce_sum3A = arith.constant dense<0.000000e+00> : vector<1024xf32>
    %reduce_sum3A_2 = vector.multi_reduction <add>, %get3A_1, %reduce_sum3A [0] : vector<32x1024xf32> to vector<1024xf32>
    %add3A = arith.constant 1.000000e+00 : f32
    %add3A_3 = vector.broadcast %add3A : f32 to vector<1024xf32>
    %add3A_4 = arith.addf %reduce_sum3A_2, %add3A_3 : vector<1024xf32>
    %rsqrt3A = math.rsqrt %add3A_4 : vector<1024xf32>
    %get3A_5 = arith.constant 0 : index
    %get3A_6 = arith.constant 0 : index
    %get3A_7 = vector.load %arg1[%get3A_5, %get3A_6] : memref<1024x128xf32, #tpu.memory_space<vmem>>, vector<1024x128xf32>
    %get3A_8 = arith.constant 0 : index
    %get3A_9 = arith.constant 0 : index
    %get3A_10 = vector.load %arg2[%get3A_8, %get3A_9] : memref<128x128xf32, #tpu.memory_space<vmem>>, vector<128x128xf32>
    %dot_general3A = arith.constant dense<0.000000e+00> : vector<1024x128xf32>
    %dot_general3A_11 = tpu.matmul %get3A_7, %get3A_10, %dot_general3A {dimension_numbers = #tpu.dot_dimension_numbers<[1], [0], [0], [1], [0, 0, 1, 1], [], []>, transpose_lhs_hint = false} : vector<1024x128xf32>, vector<128x128xf32>, vector<1024x128xf32> -> vector<1024x128xf32>
    %broadcast_in_dim3A = vector.shape_cast %rsqrt3A : vector<1024xf32> to vector<1x1024xf32>
    %reshape3A = vector.shape_cast %broadcast_in_dim3A : vector<1x1024xf32> to vector<1024x1xf32>
    %mul3A = vector.broadcast %reshape3A : vector<1024x1xf32> to vector<1024x128xf32>
    %mul3A_12 = arith.mulf %dot_general3A_11, %mul3A : vector<1024x128xf32>
    %swap3A = arith.constant 0 : index
    %swap3A_13 = arith.constant 0 : index
    %swap3A_14 = vector.load %arg4[%swap3A, %swap3A_13] : memref<1024x128xf32, #tpu.memory_space<vmem>>, vector<1024x128xf32>
    tpu.vector_store %arg4[%swap3A, %swap3A_13], %mul3A_12 {strides = array<i32>} : memref<1024x128xf32, #tpu.memory_space<vmem>>, vector<1024x128xf32>,
    return
  }
  func.func @transform_0(%arg0: i32) -> (i32, i32) {
    %c0_i32 = arith.constant 0 : i32
    %c0_i32_0 = arith.constant 0 : i32
    return %arg0, %c0_i32 : i32, i32
  }
  func.func @transform_1(%arg0: i32) -> (i32, i32) {
    %c0_i32 = arith.constant 0 : i32
    %c0_i32_0 = arith.constant 0 : i32
    %c0_i32_1 = arith.constant 0 : i32
    return %c0_i32, %c0_i32_0 : i32, i32
  }
  func.func @transform_2(%arg0: i32) -> (i32, i32) {
    %c0_i32 = arith.constant 0 : i32
    %c0_i32_0 = arith.constant 0 : i32
    return %c0_i32, %arg0 : i32, i32
  }
  func.func @transform_3(%arg0: i32) -> (i32, i32) {
    %c0_i32 = arith.constant 0 : i32
    %c0_i32_0 = arith.constant 0 : i32
    return %arg0, %c0_i32 : i32, i32
  }
}

module attributes {stable_mosaic.version = 14 : i64} {
  func.func @body(%arg0: i32, %arg1: memref<2x1024x128xf32, #tpu.memory_space<vmem>>, %arg2: memref<1024x128xf32, #tpu.memory_space<vmem>>, %arg3: memref<32x1024xf32, #tpu.memory_space<vmem>>, %arg4: memref<1x128xf32, #tpu.memory_space<vmem>>, %arg5: memref<1x128xf32, #tpu.memory_space<vmem>>, %arg6: memref<1024x128xf32, #tpu.memory_space<vmem>>) attributes {dimension_semantics = [#tpu.dimension_semantics<arbitrary>], iteration_bounds = array<i64: 10>, scalar_prefetch = 0 : i64, scratch_operands = 0 : i64, tpu.core_type = #tpu.core_type<tc>, window_params = [{transform_indices = @transform_0, window_bounds = array<i64: 2, 1024, 128>}, {transform_indices = @transform_1, window_bounds = array<i64: 1024, 128>}, {transform_indices = @transform_2, window_bounds = array<i64: 32, 1024>}, {pipeline_mode = #tpu.pipeline_mode<synchronous>, transform_indices = @transform_3, window_bounds = array<i64: 1, 128>}, {pipeline_mode = #tpu.pipeline_mode<synchronous>, transform_indices = @transform_4, window_bounds = array<i64: 1, 128>}, {transform_indices = @transform_5, window_bounds = array<i64: 1024, 128>}]} {
    %get3A = arith.constant 0 : index
    %get3A_0 = arith.constant 0 : index
    %get3A_1 = vector.load %arg3[%get3A, %get3A_0] : memref<32x1024xf32, #tpu.memory_space<vmem>>, vector<32x1024xf32>
    %reduce_sum3A = arith.constant dense<0.000000e+00> : vector<1024xf32>
    %reduce_sum3A_2 = vector.multi_reduction <add>, %get3A_1, %reduce_sum3A [0] : vector<32x1024xf32> to vector<1024xf32>
    %add3A = arith.constant 1.000000e+00 : f32
    %add3A_3 = vector.broadcast %add3A : f32 to vector<1024xf32>
    %add3A_4 = arith.addf %reduce_sum3A_2, %add3A_3 : vector<1024xf32>
    %rsqrt3A = math.rsqrt %add3A_4 : vector<1024xf32>
    %get3A_5 = arith.constant 0 : index
    %get3A_6 = arith.constant 0 : index
    %get3A_7 = arith.constant 0 : index
    %get3A_8 = vector.load %arg1[%get3A_5, %get3A_6, %get3A_7] : memref<2x1024x128xf32, #tpu.memory_space<vmem>>, vector<1x1024x128xf32>
    %get3A_9 = vector.shape_cast %get3A_8 : vector<1x1024x128xf32> to vector<1024x128xf32>
    %get3A_10 = arith.constant 1 : index
    %get3A_11 = arith.constant 0 : index
    %get3A_12 = arith.constant 0 : index
    %get3A_13 = vector.load %arg1[%get3A_10, %get3A_11, %get3A_12] : memref<2x1024x128xf32, #tpu.memory_space<vmem>>, vector<1x1024x128xf32>
    %get3A_14 = vector.shape_cast %get3A_13 : vector<1x1024x128xf32> to vector<1024x128xf32>
    %add3A_15 = arith.addf %get3A_9, %get3A_14 : vector<1024x128xf32>
    %get3A_16 = arith.constant 0 : index
    %get3A_17 = arith.constant 0 : index
    %get3A_18 = vector.load %arg2[%get3A_16, %get3A_17] : memref<1024x128xf32, #tpu.memory_space<vmem>>, vector<1024x128xf32>
    %sub3A = arith.subf %add3A_15, %get3A_18 : vector<1024x128xf32>
    %broadcast_in_dim3A = vector.shape_cast %rsqrt3A : vector<1024xf32> to vector<1x1024xf32>
    %reshape3A = vector.shape_cast %broadcast_in_dim3A : vector<1x1024xf32> to vector<1024x1xf32>
    %mul3A = vector.broadcast %reshape3A : vector<1024x1xf32> to vector<1024x128xf32>
    %mul3A_19 = arith.mulf %sub3A, %mul3A : vector<1024x128xf32>
    %get3A_20 = arith.constant 0 : index
    %get3A_21 = arith.constant 0 : index
    %get3A_22 = vector.load %arg4[%get3A_20, %get3A_21] : memref<1x128xf32, #tpu.memory_space<vmem>>, vector<1x128xf32>
    %add3A_23 = vector.broadcast %get3A_22 : vector<1x128xf32> to vector<1024x128xf32>
    %add3A_24 = arith.addf %mul3A_19, %add3A_23 : vector<1024x128xf32>
    %gt3A = arith.constant 0.000000e+00 : f32
    %gt3A_25 = vector.broadcast %gt3A : f32 to vector<1024x128xf32>
    %gt3A_26 = arith.cmpf ogt, %add3A_24, %gt3A_25 : vector<1024x128xf32>
    %get3A_27 = arith.constant 0 : index
    %get3A_28 = arith.constant 0 : index
    %get3A_29 = vector.load %arg5[%get3A_27, %get3A_28] : memref<1x128xf32, #tpu.memory_space<vmem>>, vector<1x128xf32>
    %mul3A_30 = vector.broadcast %get3A_29 : vector<1x128xf32> to vector<1024x128xf32>
    %mul3A_31 = arith.mulf %add3A_24, %mul3A_30 : vector<1024x128xf32>
    %select_n3A = arith.select %gt3A_26, %add3A_24, %mul3A_31 : vector<1024x128xi1>, vector<1024x128xf32>
    %swap3A = arith.constant 0 : index
    %swap3A_32 = arith.constant 0 : index
    %swap3A_33 = vector.load %arg6[%swap3A, %swap3A_32] : memref<1024x128xf32, #tpu.memory_space<vmem>>, vector<1024x128xf32>
    tpu.vector_store %arg6[%swap3A, %swap3A_32], %select_n3A {strides = array<i32>} : memref<1024x128xf32, #tpu.memory_space<vmem>>, vector<1024x128xf32>,
    return
  }
  func.func @transform_0(%arg0: i32) -> (i32, i32, i32) {
    %c0_i32 = arith.constant 0 : i32
    %c0_i32_0 = arith.constant 0 : i32
    %c0_i32_1 = arith.constant 0 : i32
    return %c0_i32, %arg0, %c0_i32_0 : i32, i32, i32
  }
  func.func @transform_1(%arg0: i32) -> (i32, i32) {
    %c0_i32 = arith.constant 0 : i32
    %c0_i32_0 = arith.constant 0 : i32
    return %arg0, %c0_i32 : i32, i32
  }
  func.func @transform_2(%arg0: i32) -> (i32, i32) {
    %c0_i32 = arith.constant 0 : i32
    %c0_i32_0 = arith.constant 0 : i32
    return %c0_i32, %arg0 : i32, i32
  }
  func.func @transform_3(%arg0: i32) -> (i32, i32) {
    %c0_i32 = arith.constant 0 : i32
    %c0_i32_0 = arith.constant 0 : i32
    %c0_i32_1 = arith.constant 0 : i32
    return %c0_i32, %c0_i32_0 : i32, i32
  }
  func.func @transform_4(%arg0: i32) -> (i32, i32) {
    %c0_i32 = arith.constant 0 : i32
    %c0_i32_0 = arith.constant 0 : i32
    %c0_i32_1 = arith.constant 0 : i32
    return %c0_i32, %c0_i32_0 : i32, i32
  }
  func.func @transform_5(%arg0: i32) -> (i32, i32) {
    %c0_i32 = arith.constant 0 : i32
    %c0_i32_0 = arith.constant 0 : i32
    return %arg0, %c0_i32 : i32, i32
  }
}

</mosaic_0001>

<sc_bundles>
// kernel: kernel.6.cloned.1.call-start
scs
__scs_entry_jumppad:
0x0: {  	(pc) =	sbr.rel $0x88, $3  }
0x1: {  	(tag) =	ssettag $0x0;
	lr =	simm.s32 $0x1  }
0x2: {  	[smem:$0x3F9C] =	sst lr;
	_ =	strace $0xD0000000  }
0x3: {  	_ = 	snop  }
0x4: {  	_ = 	snop  }
0x5: {  	_ = 	snop  }
0x6: {  	_ = 	snop  }
0x7: {  	_ = 	snop  }
__scs_overlays_trampoline_lowered:
0x8: {  	[smem:$0x3FAB] =	sst s0  }
0x9: {  	[smem:$0x3FAC] =	sst s1  }
0xa: {  	[smem:$0x3FAD] =	sst s2  }
0xb: {  	[smem:$0x3FAE] =	sst s3  }
0xc: {  	[smem:$0x3FAF] =	sst s4  }
0xd: {  	[smem:$0x3FB0] =	sst s5  }
0xe: {  	[smem:$0x3FB1] =	sst s6  }
0xf: {  	[smem:$0x3FB2] =	sst s7  }
0x10: {  	[smem:$0x3FB3] =	sst s8  }
0x11: {  	[smem:$0x3FB4] =	sst s9;
	s0 =	simm.s32 @!p0 $0x0  }
0x12: {  	s1 =	sld [smem:$0x3F9A];
	s0 =	simm.s32 @p0 $0x1  }
0x13: {  	[smem:$0x3FB5] =	sst s0;
	s0 =	simm.s32 @!p1 $0x0  }
0x14: {  	s2 =	sld [smem:$0x3F99];
	s0 =	simm.s32 @p1 $0x1  }
0x15: {  	[smem:$0x3FB6] =	sst s0;
	s0 =	simm.s32 @!p2 $0x0  }
0x16: {  	s3 =	sld [smem:$0x3FDB];
	s0 =	simm.s32 @p2 $0x1  }
0x17: {  	s4 =	simm.s32 $0x1BF5;
	[smem:$0x3FB8] =	sst s0  }
0x18: {  	s0 =	sld [smem:$0x3F9B];
	_ =	swait.ge [sflag:s4], $0x0  }
0x19: {  	s7 =	sld [smem:$0x3F9C]  }
0x1a: {  	s8 =	sadd.s32 $0xFFFFE003, lr  }
0x1b: {  	s9 =	sadd.s32 $0xFFFFFEF7, lr;
	s5 =	simm.s32 $0xFFFFFFFF;
	p2 =	slt.u32 s8, $0xFFFFF086  }
0x1c: {  	p1 =	slt.u32 s9, $0xF7A;
	s5 =	simm.s32 @!p2 $0x0  }
0x1d: {  	s5 =	simm.s32 @p1 $0x1;
	p0 =	seq.s32 s7, s2  }
0x1e: {  	s7 =	smul.u32 @!p0 $0xF7A, s2;
	p2 =	seq.s32 @!p0 s5, $0x0  }
0x1f: {  	s9 =	smul.u32 $0xF7A, s1;
	s8 =	simm.s32 @!p0 $0x1BF5;
	p2 =	por !p2, p0  }
0x20: {  	[sflag:s8] =	ssyncset.s32 @!p0 $0xFFFFF086;
	s6 =	sadd.s32 @!p0 s3, s7;
	s7 =	simm.s32 @!p0 $0x108  }
0x21: {  	s3 =	sadd.s32 s3, s9;
	s6 =	sadd.s32 @!p0 $0x88, s6;
	s7 =	simm.s32 @p2 $0x1082  }
0x22: {  	[simem:s7], [sflag:s8] =	dma.local @!p0 [hbm:s6], $0xF7A  }
0x23: {  	s9 =	sor.u32 $0xD0000000, s2;
	s6 =	simm.s32 $0x108;
	_ =	swait.ge @!p0 [sflag:s8], $0x0  }
0x24: {  	s3 =	sadd.s32 $0x88, s3;
	s6 =	simm.s32 @!p1 $0x1082;
	[sflag:s4] =	ssyncset.s32 $0xFFFFF086  }
0x25: {  	[simem:s6], [sflag:s4] =	dma.local [hbm:s3], $0xF7A  }
0x26: {  	[smem:$0x3F9C] =	sst s1;
	(tag) =	ssettag s2;
	_ =	strace s9  }
0x27: {  	s1 =	sld [smem:$0x3FAC]  }
0x28: {  	s2 =	sld [smem:$0x3FAD]  }
0x29: {  	s4 =	sld [smem:$0x3FAF]  }
0x2a: {  	p0 =	seq.s32 s5, $0x0;
	s5 =	sld [smem:$0x3FB0]  }
0x2b: {  	s6 =	sld [smem:$0x3FB1]  }
0x2c: {  	s7 =	sld [smem:$0x3FB2]  }
0x2d: {  	s3 =	simm.s32 $0x108;
	s8 =	sld [smem:$0x3FB3]  }
0x2e: {  	s3 =	simm.s32 @!p0 $0x1082;
	s9 =	sld [smem:$0x3FB4]  }
0x2f: {  	lr =	sadd.s32 s0, s3;
	s0 =	sld [smem:$0x3FAB]  }
0x30: {  	s3 =	sld [smem:$0x3FAE]  }
0x31: {  	[smem:$0x3FB7] =	sst s10  }
0x32: {  	s10 =	sld [smem:$0x3FB5];
	_ =	sdelay $0x3  }
0x33: {  	p0 =	seq.s32 s10, $0x1;
	s10 =	sld [smem:$0x3FB7];
	_ =	sdelay $0x3  }
0x34: {  	[smem:$0x3FB7] =	sst s10  }
0x35: {  	s10 =	sld [smem:$0x3FB6];
	_ =	sdelay $0x3  }
0x36: {  	p1 =	seq.s32 s10, $0x1;
	s10 =	sld [smem:$0x3FB7];
	_ =	sdelay $0x3  }
0x37: {  	[smem:$0x3FB7] =	sst s10  }
0x38: {  	s10 =	sld [smem:$0x3FB8]  }
0x39: {  	_ = 	snop;
	(pc) =	sbr.ind lr, $3  }
0x3a: {  	_ = 	snop  }
0x3b: {  	_ = 	snop  }
0x3c: {  	p2 =	seq.s32 s10, $0x1;
	s10 =	sld [smem:$0x3FB7]  }
0x3d: {  	_ =	shalt  }
0x3e: {  	_ =	shalt  }
0x3f: {  	_ =	shalt  }
0x40: {  	_ =	shalt  }
0x41: {  	_ =	shalt  }
0x42: {  	_ =	shalt  }
0x43: {  	_ =	shalt  }
0x44: {  	_ =	shalt  }
0x45: {  	_ =	shalt  }
0x46: {  	_ =	shalt  }
0x47: {  	_ =	shalt  }
0x48: {  	_ =	shalt  }
0x49: {  	_ =	shalt  }
0x4a: {  	_ =	shalt  }
0x4b: {  	_ =	shalt  }
0x4c: {  	_ =	shalt  }
0x4d: {  	_ =	shalt  }
0x4e: {  	_ =	shalt  }
0x4f: {  	_ =	shalt  }
0x50: {  	_ =	shalt  }
0x51: {  	_ =	shalt  }
0x52: {  	_ =	shalt  }
0x53: {  	_ =	shalt  }
0x54: {  	_ =	shalt  }
0x55: {  	_ =	shalt  }
0x56: {  	_ =	shalt  }
0x57: {  	_ =	shalt  }
0x58: {  	_ =	shalt  }
0x59: {  	_ =	shalt  }
0x5a: {  	_ =	shalt  }
0x5b: {  	_ =	shalt  }
0x5c: {  	_ =	shalt  }
0x5d: {  	_ =	shalt  }
0x5e: {  	_ =	shalt  }
0x5f: {  	_ =	shalt  }
0x60: {  	_ =	shalt  }
0x61: {  	_ =	shalt  }
0x62: {  	_ =	shalt  }
0x63: {  	_ =	shalt  }
0x64: {  	_ =	shalt  }
0x65: {  	_ =	shalt  }
0x66: {  	_ =	shalt  }
0x67: {  	_ =	shalt  }
0x68: {  	_ =	shalt  }
0x69: {  	_ =	shalt  }
0x6a: {  	_ =	shalt  }
0x6b: {  	_ =	shalt  }
0x6c: {  	_ =	shalt  }
0x6d: {  	_ =	shalt  }
0x6e: {  	_ =	shalt  }
0x6f: {  	_ =	shalt  }
0x70: {  	_ =	shalt  }
0x71: {  	_ =	shalt  }
0x72: {  	_ =	shalt  }
0x73: {  	_ =	shalt  }
0x74: {  	_ =	shalt  }
0x75: {  	_ =	shalt  }
0x76: {  	_ =	shalt  }
0x77: {  	_ =	shalt  }
0x78: {  	_ =	shalt  }
0x79: {  	_ =	shalt  }
0x7a: {  	_ =	shalt  }
0x7b: {  	_ =	shalt  }
0x7c: {  	_ =	shalt  }
0x7d: {  	_ =	shalt  }
0x7e: {  	_ =	shalt  }
0x7f: {  	_ =	shalt  }
0x80: {  	_ =	shalt  }
0x81: {  	_ =	shalt  }
0x82: {  	_ =	shalt  }
0x83: {  	_ =	shalt  }
0x84: {  	_ =	shalt  }
0x85: {  	_ =	shalt  }
0x86: {  	_ =	shalt  }
0x87: {  	_ =	shalt  }
.Lfunc_end0:
.L_simem_size_0:
called_computation_lowered:
.L_overlay_start_0:
0x88: {  	s2 =	sld [smem:$0x3FD9]  }
0x89: {  	s3 =	sld [smem:$0x3FFE];
	_ =	sdelay $0x1  }
0x8a: {  	s1 =	srdreg.scid  }
0x8b: {  	s0 =	sand.u32 $0x1, s1  }
0x8c: {  	s17 =	sshll.u32 s0, $0xA;
	s2 =	sadd.s32 s3, s2  }
0x8d: {  	s2 =	sadd.s32 s2, s17  }
0x8e: {  	[smem:$0x3FC3] =	sst s2  }
0x8f: {  	_ = 	snop  }
0x90: {  	s2 =	sld [smem:$0x3FD0];
	(tm) =	ssettm $0x1  }
0x91: {  	s18 =	sld [smem:$0x3FFB];
	_ =	sdelay $0x3  }
0x92: {  	_ =	strace s18  }
0x93: {  	s3 =	sld [smem:$0x3FFC];
	_ =	sdelay $0x3  }
0x94: {  	_ =	strace s3  }
0x95: {  	s3 =	sld [smem:$0x3FFD];
	_ =	sdelay $0x3  }
0x96: {  	_ =	strace s3  }
0x97: {  	_ =	strace $0x8FFFFFFF  }
0x98: {  	s19 =	sld [smem:$0x3FDB];
	_ =	sdelay $0x1  }
0x99: {  	s4 =	simm.s32 $_scs_section_size  }
0x9a: {  	s5 =	simm.s32 $_size__tile_overlayer_lowered;
	s6 =	simm.s32 $_tile_overlayer_lowered  }
0x9b: {  	s22 =	simm.s32 $0x1BFF;
	s21 =	sshll.u32 s6, $0x1;
	s3 =	sadd.s32 s4, s19  }
0x9c: {  	s7 =	simm.s32 $0x0;
	s20 =	sshll.u32 s5, $0x1;
	s5 =	sadd.s32 s21, s3  }
0x9d: {  	[timem:s7], [sflag:s22] =	dma.local [hbm:s5], s20  }
0x9e: {  	_ =	swait.ge [sflag:s22], s20  }
0x9f: {  	s4 =	ssub.s32 $0x0, s20;
	[sflag:s22] =	ssyncset.done $0x0  }
0xa0: {  	[sflag:s22] =	ssyncadd.s32 s4;
	_ =	sdelay $0x1  }
0xa1: {  	s23 =	simm.s32 $0x1B8B  }
0xa2: {  	_ =	swait.ge [sflag:s23], $0x1  }
0xa3: {  	[sflag:s23] =	ssyncset.done $0x0  }
0xa4: {  	s25 =	simm.s32 $0x1B8E;
	s24 =	sld [smem:$0x3FFE];
	[sflag:s23] =	ssyncadd.s32 $0xFFFFFFFF  }
0xa5: {  	s26 =	simm.s32 $execute0_lowered;
	[smem:$0x3FD2] =	sst s25  }
0xa6: {  	s5 =	sshll.u32 s26, $0x1;
	_ =	strace $0x80000046;
	[dreg:$0x1] =	wrdreg $0xFFFFFFFF  }
0xa7: {  	s28 =	simm.s32 $_size_execute0_lowered;
	s3 =	sadd.s32 s3, s5;
	[dreg:$0x0] =	wrdreg $0x0  }
0xa8: {  	s5 =	sshll.u32 s28, $0x1;
	[dreg:$0x2] =	wrdreg s3  }
0xa9: {  	[dreg:$0x3] =	wrdreg s5  }
0xaa: {  	[dreg:$0x4] =	wrdreg $0xC0  }
0xab: {  	_ =	task [dreg:s7], $0x5FFFF  }
0xac: {  	[dreg:$0x1] =	wrdreg $0xFFFFFFFF  }
0xad: {  	[dreg:$0x0] =	wrdreg $0x60  }
0xae: {  	[dreg:$0x2] =	wrdreg s24  }
0xaf: {  	[dreg:$0x3] =	wrdreg s2  }
0xb0: {  	[dreg:$0x4] =	wrdreg $0x9  }
0xb1: {  	_ =	task.clear_ibuf [dreg:s7], $0x5FFFF;
	_ =	strace $0x90000046  }
0xb2: {  	s29 =	simm.s32 $0x9;
	_ =	strace $0x80000048  }
0xb3: {  	_ =	swait.ge [sflag:s29], $0x1  }
0xb4: {  	[sflag:s29] =	ssyncadd.s32 $0xFFFFFFFF  }
0xb5: {  	_ =	strace $0x90000048  }
0xb6: {  	_ =	sfence  }
0xb7: {  	s30 =	sld [smem:$0x0];
	_ =	sdelay $0x2  }
0xb8: {  	s31 =	sshll.u32 s1, $0xD;
	s1 =	sshrl.u32 s1, $0x2  }
0xb9: {  	s3 =	sand.u32 $0x4000, s31;
	s1 =	sadd.s32 s1, s30  }
0xba: {  	s0 =	sor.u32 s3, s0;
	s1 =	sshll.u32 s1, $0x11  }
0xbb: {  	s0 =	sor.u32 s1, s0  }
0xbc: {  	s0 =	sadd.s32 $0x8F2B, s0  }
0xbd: {  	[sflag:s0] =	ssyncadd.remote.s32 $0x1  }
0xbe: {  	_ =	sfence.sel $0xFFFF  }
0xbf: {  	[dreg:$0x0] =	wrdreg $0xFFFFFFFF;
	(pc) =	sbr.abs _section_cstart, $3  }
0xc0: {  	[dreg:$0x1] =	wrdreg $0xFFFFFFFF  }
0xc1: {  	_ =	task.clear_ibuf [dreg:s7], $0x2FFFF;
	_ =	strace $0x9FFFFFFF  }
0xc2: {  	(tm) =	ssettm $0x7FFFFFFF  }
0xc3: {  	_ =	shalt  }
tec
execute0_lowered:
.L_overlay_start_1:
0x0: {  	(tag) =	ssettag $0x1  }
0x1: {  	s0 =	srdreg.scid  }
0x2: {  	s4 =	rddreg [dreg:$0x0];
	s3 =	sand.u32 $0x1, s0  }
0x3: {  	s5 =	rddreg [dreg:$0x1];
	s0 =	stileid.u32;
	s1 =	sshll.u32 s3, $0x4  }
0x4: {  	s8 =	smul.u32 $0x28000, s3;
	s9 =	sshrl.u32 s0, $0x3;
	s1 =	sor.u32 s0, s1  }
0x5: {  	s10 =	simm.s32 $0x0;
	s9 =	smul.u32 $0x14000, s9;
	s2 =	sshrl.u32 s1, $0x3  }
0x6: {  	s7 =	sshll.u32 s0, $0x7;
	s3 =	ssub.s32 $0x2, s3;
	s6 =	smul.u32 $0x13C00, s2  }
0x7: {  	s7 =	sand.u32 $0x380, s7;
	s31 =	sshrl.u32 s3, $0x1;
	s1 =	rddreg [dreg:$0x2]  }
0x8: {  	s2 =	simm.s32 $0x0;
	s8 =	sadd.s32 s8, s9;
	s6 =	sor.u32 s7, s6  }
0x9: {  	s9 =	simm.s32 $0x2780;
	[smem:$0x7FF] =	sst s2;
	s6 =	sadd.s32 $0x4F000, s6  }
0xa: {  	_ =	strace $0x80000047;
	s7 =	sor.u32 s7, s8;
	s6 =	sshrl.u32 s6, $0x3  }
0xb: {  	s8 =	simm.s32 $0x1;
	s7 =	sshrl.u32 s7, $0x3;
	s4 =	sadd.s32 s6, s4  }
0xc: {  	s6 =	ssub.s32 s3, s31;
	s3 =	sadd.s32 $0x1E00, s4;
	s4 =	sadd.s32 s5, s7  }
0xd: {  	v0 =	vimm.f32 $0.0e+00;
	v1 =	vimm.f32 $1.000000000e+00;
	s5 =	smax.u32 s6, $0x1;
	s6 =	simm.s32 $0x80;
	s7 =	simm.s32 $0x400  }
.LBB2_1:
0xe: {  	[tilespmem:s2], [sflag:$0x1] =	stream.strided.gather [hbm4b:s3+s6], $0x2780, s7, s6, $0x38;
	[tilespmem:$0x4F80] =	vst v63  }
0xf: {  	_ =	swait.ge [sflag:s8], $0x2780  }
0x10: {  	[sflag:s8] =	ssyncset.done $0x0  }
0x11: {  	s11 =	simm.s32 $0x0;
	[sflag:s8] =	ssyncadd.s32 $0xFFFFD880  }
.LBB2_2:
0x12: {  	p0 =	sne.s32 s11, $0x9FC0  }
.Ltmp0:
0x13: {  	_ = 	snop;
	(pc) =	sbr.rel @p0 .LBB2_2-.Ltmp0, $3  }
0x14: {  	_ =	sdelay $0x1  }
0x15: {  	s12 =	sshra.s32 s11, $0x2  }
0x16: {  	s11 =	sadd.s32 $0x40, s11;
	[tilespmem:s12+$0x2780] =	vst v0  }
0x17: {  	s12 =	simm.s32 $0x0;
	s11 =	simm.s32 $0x40  }
.LBB2_4:
0x18: {  	p0 =	sne.s32 s11, $0x9C00;
	v2 =	vld [tilespmem:s12+$0x0];
	_ =	sdelay $0x3  }
.Ltmp1:
0x19: {  	(pc) =	sbr.rel @p0 .LBB2_4-.Ltmp1, $2  }
0x1a: {  	_ =	sdelay $0x2  }
0x1b: {  	s12 =	sshra.s32 s11, $0x2;
	s11 =	sadd.s32 $0x40, s11;
	[tilespmem:v2+s9+$0x0] =	vst.idx.add.f32.msk $0xffff, v1  }
0x1c: {  	v2 =	vld [tilespmem:s12+$0x0];
	_ =	sdelay $0x5  }
0x1d: {  	s10 =	sadd.s32 $0x1, s10  }
0x1e: {  	p0 =	sne.s32 s10, s5  }
.Ltmp2:
0x1f: {  	[tilespmem:v2+s9+$0x0] =	vst.idx.add.f32.msk $0xffff, v1;
	(pc) =	sbr.rel @p0 .LBB2_1-.Ltmp2, $4  }
0x20: {  	[hbm4b:s4+s6] =	stream.strided.scatter [tilespmem:s9], [sflag:$0x1], $0x2800, s7, s6, $0x38;
	[tilespmem:$0x4F80] =	vst v63  }
0x21: {  	_ =	swait.ge [sflag:s8], $0x2800  }
0x22: {  	[sflag:s8] =	ssyncset.done $0x0  }
0x23: {  	[sflag:s8] =	ssyncadd.s32 $0xFFFFD800  }
0x24: {  	_ =	sfence.sel $0x180000  }
0x25: {  	[bflag:$0x0] =	sbarrier.arrive $0xFFFF  }
0x26: {  	p0 =	sne.s32 s0, $0x0;
	_ =	strace $0x90000047  }
0x27: {  	s0 =	sadd.s32 @!p0 $0x100000, s1;
	[bflag:$0x2] =	sbarrier.arrive $0xFFFF  }
0x28: {  	[sflag:s0] =	ssyncadd.tile.s32 @!p0 $0x1;
	_ =	shalt  }
.Lfunc_end2:
_tile_overlayer_lowered:
.L_overlay_start_2:
0x29: {  	(tag) =	ssettag $0x2  }
0x2a: {  	s0 =	rddreg [dreg:$0x0];
	s2 =	stileid.u32  }
0x2b: {  	s1 =	rddreg [dreg:$0x1];
	p0 =	sne.s32 s2, $0x0  }
0x2c: {  	s3 =	rddreg [dreg:$0x2];
	[bflag:$0x3] =	sbarrier.arrive $0xFFFF;
	s2 =	simm.s32 @!p0 $0x1C01  }
0x2d: {  	[timem:s3], [sflag:s2] =	dma.local @!p0 [hbm:s0], s1  }
0x2e: {  	s0 =	simm.s32 @!p0 $0x1  }
0x2f: {  	_ =	swait.ge @!p0 [sflag:s0], s1  }
0x30: {  	s1 =	ssub.s32 @!p0 $0x0, s1;
	[sflag:s0] =	ssyncset.done @!p0 $0x0  }
0x31: {  	[sflag:s0] =	ssyncadd.s32 @!p0 s1  }
0x32: {  	[bflag:$0x3] =	sbarrier.arrive $0xFFFF  }
0x33: {  	_ =	shalt  }

// kernel: kernel.9.cloned.1.call-start
scs
__scs_entry_jumppad:
0x0: {  	(pc) =	sbr.rel $0x88, $3  }
0x1: {  	(tag) =	ssettag $0x0;
	lr =	simm.s32 $0x1  }
0x2: {  	[smem:$0x3F9C] =	sst lr;
	_ =	strace $0xD0000000  }
0x3: {  	_ = 	snop  }
0x4: {  	_ = 	snop  }
0x5: {  	_ = 	snop  }
0x6: {  	_ = 	snop  }
0x7: {  	_ = 	snop  }
__scs_overlays_trampoline_lowered:
0x8: {  	[smem:$0x3FAB] =	sst s0  }
0x9: {  	[smem:$0x3FAC] =	sst s1  }
0xa: {  	[smem:$0x3FAD] =	sst s2  }
0xb: {  	[smem:$0x3FAE] =	sst s3  }
0xc: {  	[smem:$0x3FAF] =	sst s4  }
0xd: {  	[smem:$0x3FB0] =	sst s5  }
0xe: {  	[smem:$0x3FB1] =	sst s6  }
0xf: {  	[smem:$0x3FB2] =	sst s7  }
0x10: {  	[smem:$0x3FB3] =	sst s8  }
0x11: {  	[smem:$0x3FB4] =	sst s9;
	s0 =	simm.s32 @!p0 $0x0  }
0x12: {  	s1 =	sld [smem:$0x3F9A];
	s0 =	simm.s32 @p0 $0x1  }
0x13: {  	[smem:$0x3FB5] =	sst s0;
	s0 =	simm.s32 @!p1 $0x0  }
0x14: {  	s2 =	sld [smem:$0x3F99];
	s0 =	simm.s32 @p1 $0x1  }
0x15: {  	[smem:$0x3FB6] =	sst s0;
	s0 =	simm.s32 @!p2 $0x0  }
0x16: {  	s3 =	sld [smem:$0x3FDB];
	s0 =	simm.s32 @p2 $0x1  }
0x17: {  	s4 =	simm.s32 $0x1BF5;
	[smem:$0x3FB8] =	sst s0  }
0x18: {  	s0 =	sld [smem:$0x3F9B];
	_ =	swait.ge [sflag:s4], $0x0  }
0x19: {  	s7 =	sld [smem:$0x3F9C]  }
0x1a: {  	s8 =	sadd.s32 $0xFFFFE003, lr  }
0x1b: {  	s9 =	sadd.s32 $0xFFFFFEF7, lr;
	s5 =	simm.s32 $0xFFFFFFFF;
	p2 =	slt.u32 s8, $0xFFFFF086  }
0x1c: {  	p1 =	slt.u32 s9, $0xF7A;
	s5 =	simm.s32 @!p2 $0x0  }
0x1d: {  	s5 =	simm.s32 @p1 $0x1;
	p0 =	seq.s32 s7, s2  }
0x1e: {  	s7 =	smul.u32 @!p0 $0xF7A, s2;
	p2 =	seq.s32 @!p0 s5, $0x0  }
0x1f: {  	s9 =	smul.u32 $0xF7A, s1;
	s8 =	simm.s32 @!p0 $0x1BF5;
	p2 =	por !p2, p0  }
0x20: {  	[sflag:s8] =	ssyncset.s32 @!p0 $0xFFFFF086;
	s6 =	sadd.s32 @!p0 s3, s7;
	s7 =	simm.s32 @!p0 $0x108  }
0x21: {  	s3 =	sadd.s32 s3, s9;
	s6 =	sadd.s32 @!p0 $0x88, s6;
	s7 =	simm.s32 @p2 $0x1082  }
0x22: {  	[simem:s7], [sflag:s8] =	dma.local @!p0 [hbm:s6], $0xF7A  }
0x23: {  	s9 =	sor.u32 $0xD0000000, s2;
	s6 =	simm.s32 $0x108;
	_ =	swait.ge @!p0 [sflag:s8], $0x0  }
0x24: {  	s3 =	sadd.s32 $0x88, s3;
	s6 =	simm.s32 @!p1 $0x1082;
	[sflag:s4] =	ssyncset.s32 $0xFFFFF086  }
0x25: {  	[simem:s6], [sflag:s4] =	dma.local [hbm:s3], $0xF7A  }
0x26: {  	[smem:$0x3F9C] =	sst s1;
	(tag) =	ssettag s2;
	_ =	strace s9  }
0x27: {  	s1 =	sld [smem:$0x3FAC]  }
0x28: {  	s2 =	sld [smem:$0x3FAD]  }
0x29: {  	s4 =	sld [smem:$0x3FAF]  }
0x2a: {  	p0 =	seq.s32 s5, $0x0;
	s5 =	sld [smem:$0x3FB0]  }
0x2b: {  	s6 =	sld [smem:$0x3FB1]  }
0x2c: {  	s7 =	sld [smem:$0x3FB2]  }
0x2d: {  	s3 =	simm.s32 $0x108;
	s8 =	sld [smem:$0x3FB3]  }
0x2e: {  	s3 =	simm.s32 @!p0 $0x1082;
	s9 =	sld [smem:$0x3FB4]  }
0x2f: {  	lr =	sadd.s32 s0, s3;
	s0 =	sld [smem:$0x3FAB]  }
0x30: {  	s3 =	sld [smem:$0x3FAE]  }
0x31: {  	[smem:$0x3FB7] =	sst s10  }
0x32: {  	s10 =	sld [smem:$0x3FB5];
	_ =	sdelay $0x3  }
0x33: {  	p0 =	seq.s32 s10, $0x1;
	s10 =	sld [smem:$0x3FB7];
	_ =	sdelay $0x3  }
0x34: {  	[smem:$0x3FB7] =	sst s10  }
0x35: {  	s10 =	sld [smem:$0x3FB6];
	_ =	sdelay $0x3  }
0x36: {  	p1 =	seq.s32 s10, $0x1;
	s10 =	sld [smem:$0x3FB7];
	_ =	sdelay $0x3  }
0x37: {  	[smem:$0x3FB7] =	sst s10  }
0x38: {  	s10 =	sld [smem:$0x3FB8]  }
0x39: {  	_ = 	snop;
	(pc) =	sbr.ind lr, $3  }
0x3a: {  	_ = 	snop  }
0x3b: {  	_ = 	snop  }
0x3c: {  	p2 =	seq.s32 s10, $0x1;
	s10 =	sld [smem:$0x3FB7]  }
0x3d: {  	_ =	shalt  }
0x3e: {  	_ =	shalt  }
0x3f: {  	_ =	shalt  }
0x40: {  	_ =	shalt  }
0x41: {  	_ =	shalt  }
0x42: {  	_ =	shalt  }
0x43: {  	_ =	shalt  }
0x44: {  	_ =	shalt  }
0x45: {  	_ =	shalt  }
0x46: {  	_ =	shalt  }
0x47: {  	_ =	shalt  }
0x48: {  	_ =	shalt  }
0x49: {  	_ =	shalt  }
0x4a: {  	_ =	shalt  }
0x4b: {  	_ =	shalt  }
0x4c: {  	_ =	shalt  }
0x4d: {  	_ =	shalt  }
0x4e: {  	_ =	shalt  }
0x4f: {  	_ =	shalt  }
0x50: {  	_ =	shalt  }
0x51: {  	_ =	shalt  }
0x52: {  	_ =	shalt  }
0x53: {  	_ =	shalt  }
0x54: {  	_ =	shalt  }
0x55: {  	_ =	shalt  }
0x56: {  	_ =	shalt  }
0x57: {  	_ =	shalt  }
0x58: {  	_ =	shalt  }
0x59: {  	_ =	shalt  }
0x5a: {  	_ =	shalt  }
0x5b: {  	_ =	shalt  }
0x5c: {  	_ =	shalt  }
0x5d: {  	_ =	shalt  }
0x5e: {  	_ =	shalt  }
0x5f: {  	_ =	shalt  }
0x60: {  	_ =	shalt  }
0x61: {  	_ =	shalt  }
0x62: {  	_ =	shalt  }
0x63: {  	_ =	shalt  }
0x64: {  	_ =	shalt  }
0x65: {  	_ =	shalt  }
0x66: {  	_ =	shalt  }
0x67: {  	_ =	shalt  }
0x68: {  	_ =	shalt  }
0x69: {  	_ =	shalt  }
0x6a: {  	_ =	shalt  }
0x6b: {  	_ =	shalt  }
0x6c: {  	_ =	shalt  }
0x6d: {  	_ =	shalt  }
0x6e: {  	_ =	shalt  }
0x6f: {  	_ =	shalt  }
0x70: {  	_ =	shalt  }
0x71: {  	_ =	shalt  }
0x72: {  	_ =	shalt  }
0x73: {  	_ =	shalt  }
0x74: {  	_ =	shalt  }
0x75: {  	_ =	shalt  }
0x76: {  	_ =	shalt  }
0x77: {  	_ =	shalt  }
0x78: {  	_ =	shalt  }
0x79: {  	_ =	shalt  }
0x7a: {  	_ =	shalt  }
0x7b: {  	_ =	shalt  }
0x7c: {  	_ =	shalt  }
0x7d: {  	_ =	shalt  }
0x7e: {  	_ =	shalt  }
0x7f: {  	_ =	shalt  }
0x80: {  	_ =	shalt  }
0x81: {  	_ =	shalt  }
0x82: {  	_ =	shalt  }
0x83: {  	_ =	shalt  }
0x84: {  	_ =	shalt  }
0x85: {  	_ =	shalt  }
0x86: {  	_ =	shalt  }
0x87: {  	_ =	shalt  }
.Lfunc_end0:
.L_simem_size_0:
called_computation.1_lowered:
.L_overlay_start_0:
0x88: {  	s2 =	sld [smem:$0x3FD9]  }
0x89: {  	s3 =	sld [smem:$0x3FFE];
	_ =	sdelay $0x1  }
0x8a: {  	s1 =	srdreg.scid  }
0x8b: {  	s0 =	sand.u32 $0x1, s1  }
0x8c: {  	s17 =	sshll.u32 s0, $0xA;
	s2 =	sadd.s32 s3, s2  }
0x8d: {  	s2 =	sadd.s32 s2, s17  }
0x8e: {  	[smem:$0x3FC3] =	sst s2  }
0x8f: {  	_ = 	snop  }
0x90: {  	s2 =	sld [smem:$0x3FD0];
	(tm) =	ssettm $0x1  }
0x91: {  	s18 =	sld [smem:$0x3FFB];
	_ =	sdelay $0x3  }
0x92: {  	_ =	strace s18  }
0x93: {  	s3 =	sld [smem:$0x3FFC];
	_ =	sdelay $0x3  }
0x94: {  	_ =	strace s3  }
0x95: {  	s3 =	sld [smem:$0x3FFD];
	_ =	sdelay $0x3  }
0x96: {  	_ =	strace s3  }
0x97: {  	_ =	strace $0x8FFFFFFF  }
0x98: {  	s19 =	sld [smem:$0x3FDB];
	_ =	sdelay $0x1  }
0x99: {  	s4 =	simm.s32 $_scs_section_size  }
0x9a: {  	s5 =	simm.s32 $_size__tile_overlayer_lowered;
	s6 =	simm.s32 $_tile_overlayer_lowered  }
0x9b: {  	s22 =	simm.s32 $0x1BFF;
	s21 =	sshll.u32 s6, $0x1;
	s3 =	sadd.s32 s4, s19  }
0x9c: {  	s7 =	simm.s32 $0x0;
	s20 =	sshll.u32 s5, $0x1;
	s5 =	sadd.s32 s21, s3  }
0x9d: {  	[timem:s7], [sflag:s22] =	dma.local [hbm:s5], s20  }
0x9e: {  	_ =	swait.ge [sflag:s22], s20  }
0x9f: {  	s4 =	ssub.s32 $0x0, s20;
	[sflag:s22] =	ssyncset.done $0x0  }
0xa0: {  	[sflag:s22] =	ssyncadd.s32 s4;
	_ =	sdelay $0x1  }
0xa1: {  	s23 =	simm.s32 $0x1B8B  }
0xa2: {  	_ =	swait.ge [sflag:s23], $0x1  }
0xa3: {  	[sflag:s23] =	ssyncset.done $0x0  }
0xa4: {  	s25 =	simm.s32 $0x1B8E;
	s24 =	sld [smem:$0x3FFE];
	[sflag:s23] =	ssyncadd.s32 $0xFFFFFFFF  }
0xa5: {  	s26 =	simm.s32 $execute0_lowered;
	[smem:$0x3FD2] =	sst s25  }
0xa6: {  	s5 =	sshll.u32 s26, $0x1;
	_ =	strace $0x80000049;
	[dreg:$0x1] =	wrdreg $0xFFFFFFFF  }
0xa7: {  	s28 =	simm.s32 $_size_execute0_lowered;
	s3 =	sadd.s32 s3, s5;
	[dreg:$0x0] =	wrdreg $0x0  }
0xa8: {  	s5 =	sshll.u32 s28, $0x1;
	[dreg:$0x2] =	wrdreg s3  }
0xa9: {  	[dreg:$0x3] =	wrdreg s5  }
0xaa: {  	[dreg:$0x4] =	wrdreg $0xC0  }
0xab: {  	_ =	task [dreg:s7], $0x5FFFF  }
0xac: {  	[dreg:$0x1] =	wrdreg $0xFFFFFFFF  }
0xad: {  	[dreg:$0x0] =	wrdreg $0x60  }
0xae: {  	[dreg:$0x2] =	wrdreg s2  }
0xaf: {  	[dreg:$0x3] =	wrdreg s24  }
0xb0: {  	[dreg:$0x4] =	wrdreg $0xB7800  }
0xb1: {  	[dreg:$0x5] =	wrdreg $0x9  }
0xb2: {  	_ =	task.clear_ibuf [dreg:s7], $0x6FFFF;
	_ =	strace $0x90000049  }
0xb3: {  	s29 =	simm.s32 $0x9;
	_ =	strace $0x8000004B  }
0xb4: {  	_ =	swait.ge [sflag:s29], $0x1  }
0xb5: {  	[sflag:s29] =	ssyncadd.s32 $0xFFFFFFFF  }
0xb6: {  	_ =	strace $0x9000004B  }
0xb7: {  	_ =	sfence  }
0xb8: {  	s30 =	sld [smem:$0x0];
	_ =	sdelay $0x2  }
0xb9: {  	s31 =	sshll.u32 s1, $0xD;
	s1 =	sshrl.u32 s1, $0x2  }
0xba: {  	s3 =	sand.u32 $0x4000, s31;
	s1 =	sadd.s32 s1, s30  }
0xbb: {  	s0 =	sor.u32 s3, s0;
	s1 =	sshll.u32 s1, $0x11  }
0xbc: {  	s0 =	sor.u32 s1, s0  }
0xbd: {  	s0 =	sadd.s32 $0x8F2B, s0  }
0xbe: {  	[sflag:s0] =	ssyncadd.remote.s32 $0x1  }
0xbf: {  	_ =	sfence.sel $0xFFFF  }
0xc0: {  	[dreg:$0x0] =	wrdreg $0xFFFFFFFF;
	(pc) =	sbr.abs _section_cstart, $3  }
0xc1: {  	[dreg:$0x1] =	wrdreg $0xFFFFFFFF  }
0xc2: {  	_ =	task.clear_ibuf [dreg:s7], $0x2FFFF;
	_ =	strace $0x9FFFFFFF  }
0xc3: {  	(tm) =	ssettm $0x7FFFFFFF  }
tec
execute0_lowered:
.L_overlay_start_1:
0x0: {  	(tag) =	ssettag $0x1  }
0x1: {  	s0 =	srdreg.scid;
	s7 =	rddreg [dreg:$0x1]  }
0x2: {  	s3 =	rddreg [dreg:$0x2];
	s4 =	simm.s32 $0x0;
	s14 =	simm.s32 $0x3  }
0x3: {  	s15 =	simm.s32 $0x2780;
	s19 =	simm.s32 $0x50;
	s20 =	simm.s32 $0x6780  }
0x4: {  	s21 =	simm.s32 $0x1;
	s22 =	simm.s32 $0x8F80;
	s23 =	simm.s32 $0x2  }
0x5: {  	s24 =	simm.s32 $0x6580;
	s25 =	simm.s32 $0x0;
	s5 =	sand.u32 $0x1, s0  }
0x6: {  	s0 =	stileid.u32;
	[smem:$0x7FF] =	sst s4;
	s18 =	sadd.s32 $0x138000, s3  }
0x7: {  	s1 =	sshll.u32 s5, $0x4;
	s28 =	sshll.u32 s0, $0x7;
	s29 =	smul.u32 $0x27100, s5  }
0x8: {  	s5 =	ssub.s32 $0x2, s5;
	s10 =	smul.u32 $0x4E000, s0;
	p0 =	sne.s32 s0, $0xF  }
0x9: {  	s16 =	sshll.u32 s0, $0x6;
	s6 =	sor.u32 s0, s1;
	s1 =	rddreg [dreg:$0x0]  }
0xa: {  	s9 =	sand.u32 $0x380, s28;
	s30 =	sshrl.u32 s5, $0x1;
	s16 =	sor.u32 $0x1C03, s16  }
0xb: {  	s18 =	sshrl.u32 @!p0 s18, $0x3;
	s2 =	sshrl.u32 s6, $0x3;
	s6 =	sshll.u32 s6, $0xB  }
0xc: {  	s12 =	sadd.s32 s29, s7;
	s13 =	ssub.s32 s5, s30;
	s5 =	smul.u32 $0x2700, s0  }
0xd: {  	s31 =	sshrl.u32 s10, $0x2;
	s8 =	smul.u32 $0x13C00, s2;
	s2 =	rddreg [dreg:$0x3]  }
0xe: {  	_ =	strace $0x8000004A;
	s11 =	sadd.s32 s6, s7;
	s17 =	sadd.s32 s31, s3  }
0xf: {  	s10 =	sadd.s32 $0x35A00, s12;
	s12 =	simm.s32 $0x80;
	s8 =	sor.u32 s9, s8  }
0x10: {  	s17 =	sshrl.u32 s17, $0x3;
	s9 =	sadd.s32 $0x27000, s1;
	s8 =	sshrl.u32 s8, $0x3  }
0x11: {  	s8 =	sadd.s32 s8, s7;
	s7 =	sadd.s32 $0x25A00, s11;
	s11 =	smax.u32 s13, $0x1  }
0x12: {  	s13 =	simm.s32 $0x400;
	s6 =	sadd.s32 $0x1E00, s8;
	s8 =	sadd.s32 s1, s5  }
.LBB2_1:
0x13: {  	[tilespmem:s4], [sflag:$0x3] =	stream.strided.gather [hbm4b:s6+s12], $0x2780, s13, s12, $0x38;
	[tilespmem:$0x1F000] =	vst v63  }
0x14: {  	_ =	swait.ge [sflag:s14], $0x2780  }
0x15: {  	[sflag:s14] =	ssyncset.done $0x0  }
0x16: {  	[sflag:s14] =	ssyncadd.s32 $0xFFFFD880  }
0x17: {  	[tilespmem:s15], [sflag:$0x3] =	stream.linear.gather [hbm4b:s7+s4], $0x3E80, $0x38;
	[tilespmem:$0x1F000] =	vst v63  }
0x18: {  	_ =	swait.ge [sflag:s14], $0x3E80  }
0x19: {  	[sflag:s14] =	ssyncset.done $0x0  }
0x1a: {  	[sflag:s14] =	ssyncadd.s32 $0xFFFFC180  }
0x1b: {  	[spmem:s17], [sflag:s16] =	dma.local [hbm:s8], $0x2700  }
0x1c: {  	_ =	swait.ge [sflag:s14], $0x2700  }
0x1d: {  	[sflag:s14] =	ssyncset.done $0x0  }
0x1e: {  	s26 =	simm.s32 @!p0 $0x3;
	[sflag:s14] =	ssyncadd.s32 $0xFFFFD900  }
0x1f: {  	[spmem:s18], [sflag:s16] =	dma.local @!p0 [hbm:s9], $0x100  }
0x20: {  	_ =	swait.ge @!p0 [sflag:s26], $0x100  }
0x21: {  	[sflag:s26] =	ssyncset.done @!p0 $0x0  }
0x22: {  	[sflag:s26] =	ssyncadd.s32 @!p0 $0xFFFFFF00  }
0x23: {  	[bflag:$0x0] =	sbarrier.arrive $0xFFFF  }
0x24: {  	[tilespmem:s20], [sflag:$0x1] =	stream.indirect.gather [hbm4b:s1+s19], $0x80, s4, s19, $0xb8;
	[tilespmem:$0x1F000] =	vst v63  }
0x25: {  	_ =	swait.ge [sflag:s21], $0x2800  }
0x26: {  	[sflag:s21] =	ssyncset.done $0x0  }
0x27: {  	s30 =	simm.s32 $0x50;
	[sflag:s21] =	ssyncadd.s32 $0xFFFFD800  }
0x28: {  	[tilespmem:s22], [sflag:$0x2] =	stream.indirect.gather [hbm4b:s1+s19], $0x80, s30, s19, $0xb8;
	[tilespmem:$0x1F000] =	vst v63  }
0x29: {  	s31 =	simm.s32 $0x2780  }
0x2a: {  	[spmem:s3] =	stream.indirect.scatter.add.f32 [tilespmem:s20], [sflag:$0x3], $0x80, s31, s19, $0xb8;
	[tilespmem:$0x1F000] =	vst v63  }
0x2b: {  	_ =	swait.ge [sflag:s14], $0x2800  }
0x2c: {  	[sflag:s14] =	ssyncset.done $0x0  }
0x2d: {  	[sflag:s14] =	ssyncadd.s32 $0xFFFFD800  }
0x2e: {  	_ =	swait.ge [sflag:s23], $0x2800  }
0x2f: {  	[sflag:s23] =	ssyncset.done $0x0  }
0x30: {  	s26 =	simm.s32 $0xA0;
	[sflag:s23] =	ssyncadd.s32 $0xFFFFD800  }
0x31: {  	[tilespmem:s20], [sflag:$0x1] =	stream.indirect.gather [hbm4b:s1+s19], $0x80, s26, s19, $0xb8;
	[tilespmem:$0x1F000] =	vst v63  }
0x32: {  	s28 =	simm.s32 $0x2800  }
0x33: {  	[spmem:s3] =	stream.indirect.scatter.add.f32 [tilespmem:s22], [sflag:$0x3], $0x80, s28, s19, $0xb8;
	[tilespmem:$0x1F000] =	vst v63  }
0x34: {  	_ =	swait.ge [sflag:s14], $0x2800  }
0x35: {  	s28 =	simm.s32 $0x400;
	[sflag:s14] =	ssyncset.done $0x0  }
.LBB2_2:
0x36: {  	p1 =	sne.s32 s28, $0xF400;
	[sflag:s14] =	ssyncadd.s32 $0xFFFFD800;
	s26 =	sadd.s32 $0xA0, s26  }
0x37: {  	s29 =	smov.u32 s28;
	s28 =	sadd.s32 $0x400, s28  }
0x38: {  	_ =	swait.ge [sflag:s21], $0x2800  }
0x39: {  	[sflag:s21] =	ssyncset.done $0x0  }
0x3a: {  	s30 =	sadd.s32 $0xFFFFFFB0, s26;
	s29 =	sshra.s32 s29, $0x2;
	[sflag:s21] =	ssyncadd.s32 $0xFFFFD800  }
0x3b: {  	[tilespmem:s22], [sflag:$0x2] =	stream.indirect.gather [hbm4b:s1+s19], $0x80, s30, s19, $0xb8;
	[tilespmem:$0x1F000] =	vst v63  }
0x3c: {  	s30 =	sadd.s32 $0x2780, s29  }
0x3d: {  	[spmem:s3] =	stream.indirect.scatter.add.f32 [tilespmem:s20], [sflag:$0x3], $0x80, s30, s19, $0xb8;
	[tilespmem:$0x1F000] =	vst v63  }
0x3e: {  	_ =	swait.ge [sflag:s14], $0x2800  }
0x3f: {  	[sflag:s14] =	ssyncset.done $0x0  }
0x40: {  	[sflag:s14] =	ssyncadd.s32 $0xFFFFD800  }
0x41: {  	_ =	swait.ge [sflag:s23], $0x2800  }
0x42: {  	[sflag:s23] =	ssyncset.done $0x0  }
0x43: {  	[sflag:s23] =	ssyncadd.s32 $0xFFFFD800  }
0x44: {  	[tilespmem:s20], [sflag:$0x1] =	stream.indirect.gather [hbm4b:s1+s19], $0x80, s26, s19, $0xb8;
	[tilespmem:$0x1F000] =	vst v63  }
.Ltmp0:
0x45: {  	_ = 	snop;
	(pc) =	sbr.rel @p1 .LBB2_2-.Ltmp0, $4  }
0x46: {  	s29 =	sadd.s32 $0x2800, s29  }
0x47: {  	[spmem:s3] =	stream.indirect.scatter.add.f32 [tilespmem:s22], [sflag:$0x3], $0x80, s29, s19, $0xb8;
	[tilespmem:$0x1F000] =	vst v63  }
0x48: {  	_ =	swait.ge [sflag:s14], $0x2800  }
0x49: {  	[sflag:s14] =	ssyncset.done $0x0  }
0x4a: {  	[sflag:s14] =	ssyncadd.s32 $0xFFFFD800  }
0x4b: {  	_ =	swait.ge [sflag:s21], $0x2800  }
0x4c: {  	[sflag:s21] =	ssyncset.done $0x0  }
0x4d: {  	[sflag:s21] =	ssyncadd.s32 $0xFFFFD800  }
0x4e: {  	[spmem:s3] =	stream.indirect.scatter.add.f32 [tilespmem:s20], [sflag:$0x3], $0x80, s24, s19, $0xb8;
	[tilespmem:$0x1F000] =	vst v63  }
0x4f: {  	_ =	swait.ge [sflag:s14], $0x2800  }
0x50: {  	[sflag:s14] =	ssyncset.done $0x0  }
0x51: {  	[sflag:s14] =	ssyncadd.s32 $0xFFFFD800  }
0x52: {  	s26 =	sadd.s32 s5, s10;
	[bflag:$0x0] =	sbarrier.arrive $0xFFFF  }
0x53: {  	[hbm:s26], [sflag:s16] =	dma.local [spmem:s17], $0x2700  }
0x54: {  	_ =	swait.ge [sflag:s14], $0x2700  }
0x55: {  	s25 =	sadd.s32 $0x1, s25;
	[sflag:s14] =	ssyncset.done $0x0  }
0x56: {  	p1 =	sne.s32 s25, s11;
	s26 =	sadd.s32 @!p0 $0x27000, s10;
	[sflag:s14] =	ssyncadd.s32 $0xFFFFD900  }
0x57: {  	[hbm:s26], [sflag:s16] =	dma.local @!p0 [spmem:s18], $0x100  }
.Ltmp1:
0x58: {  	_ = 	snop;
	(pc) =	sbr.rel @p1 .LBB2_1-.Ltmp1, $4  }
0x59: {  	s26 =	simm.s32 @!p0 $0x3  }
0x5a: {  	_ =	swait.ge @!p0 [sflag:s26], $0x100  }
0x5b: {  	[sflag:s26] =	ssyncset.done @!p0 $0x0  }
0x5c: {  	[sflag:s26] =	ssyncadd.s32 @!p0 $0xFFFFFF00  }
0x5d: {  	_ =	sfence.sel $0x180000  }
0x5e: {  	[bflag:$0x0] =	sbarrier.arrive $0xFFFF  }
0x5f: {  	p0 =	sne.s32 s0, $0x0;
	_ =	strace $0x9000004A  }
0x60: {  	s0 =	sadd.s32 @!p0 $0x100000, s2;
	[bflag:$0x2] =	sbarrier.arrive $0xFFFF  }
0x61: {  	[sflag:s0] =	ssyncadd.tile.s32 @!p0 $0x1;
	_ =	shalt  }
.Lfunc_end2:
_tile_overlayer_lowered:
.L_overlay_start_2:
0x62: {  	(tag) =	ssettag $0x2  }
0x63: {  	s0 =	rddreg [dreg:$0x0];
	s2 =	stileid.u32  }
0x64: {  	s1 =	rddreg [dreg:$0x1];
	p0 =	sne.s32 s2, $0x0  }
0x65: {  	s3 =	rddreg [dreg:$0x2];
	[bflag:$0x3] =	sbarrier.arrive $0xFFFF;
	s2 =	simm.s32 @!p0 $0x1C03  }
0x66: {  	[timem:s3], [sflag:s2] =	dma.local @!p0 [hbm:s0], s1  }
0x67: {  	s0 =	simm.s32 @!p0 $0x3  }
0x68: {  	_ =	swait.ge @!p0 [sflag:s0], s1  }
0x69: {  	s1 =	ssub.s32 @!p0 $0x0, s1;
	[sflag:s0] =	ssyncset.done @!p0 $0x0  }
0x6a: {  	[sflag:s0] =	ssyncadd.s32 @!p0 s1  }
0x6b: {  	[bflag:$0x3] =	sbarrier.arrive $0xFFFF  }
0x6c: {  	_ =	shalt  }

</sc_bundles>
